<compile_context>
chip_gen: v7x
topology: tpu7x:2x2x1
jax: 0.10.2.dev20260603
libtpu: 0.0.44.dev20260713+nightly
codegen_flags: <defaults>
</compile_context>

<pallas_src>
import functools

import jax
import jax.numpy as jnp
import numpy as np
from jax import lax
from jax.experimental import pallas as pl
from jax.experimental.pallas import tpu as pltpu
from jax.experimental.pallas import tpu_sc as plsc

N_MOL = 128
A = 24
MB = 4
RCR = 5.2
RCA = 3.5
PI = float(np.pi)

_SHFR = np.linspace(0.9, 5.2, 17)[:-1].astype(np.float32)
_SHFA = np.linspace(0.9, 3.5, 5)[:-1].astype(np.float32)
_SHFZ = ((np.arange(8) + 0.5) * np.pi / 8.0).astype(np.float32)

_CZ2 = np.tile(0.5 * np.cos(_SHFZ), 2).astype(np.float32)
_SZ2 = np.tile(0.5 * np.sin(_SHFZ), 2).astype(np.float32)
_SHFA0 = np.repeat(_SHFA[0:2], 8).astype(np.float32)
_SHFA1 = np.repeat(_SHFA[2:4], 8).astype(np.float32)


def _rsqrt16(x):
    i = plsc.bitcast(x, jnp.int32)
    y = plsc.bitcast(jnp.int32(0x5F3759DF) - (i >> 1), jnp.float32)
    for _ in range(3):
        y = y * (1.5 - 0.5 * x * y * y)
    return y


def _cutoff16(dv, rc):
    u = PI * (dv * (1.0 / rc) - 0.5)
    u2 = u * u
    s = u * (1.0 + u2 * (-1.0 / 6.0 + u2 * (1.0 / 120.0 + u2 * (-1.0 / 5040.0 + u2 * (1.0 / 362880.0)))))
    return 0.5 - 0.5 * s


def _splat(ref, idx):
    return plsc.load_gather(ref, [jnp.full((16,), idx, jnp.int32)])


def _aev_body(coords_hbm, species_hbm, consts_hbm, out_hbm,
              cbuf, sbuf, kbuf, dref, rref, dxr, dyr, dzr, fcar, fcrr, actr, nbr, aevb):
    pltpu.sync_copy(consts_hbm, kbuf)
    shfr_v = kbuf[pl.ds(0, 16)]
    cz2_v = kbuf[pl.ds(16, 16)]
    sz2_v = kbuf[pl.ds(32, 16)]
    shfa0_v = kbuf[pl.ds(48, 16)]
    shfa1_v = kbuf[pl.ds(64, 16)]
    zeros16 = jnp.zeros((16,), jnp.float32)

    wid = lax.axis_index("s") * 2 + lax.axis_index("c")

    def per_mol(t, carry):
        m = wid * MB + t
        pltpu.sync_copy(coords_hbm.at[m], cbuf)
        pltpu.sync_copy(species_hbm.at[m], sbuf)

        def zero_aev(q, c):
            aevb[pl.ds(pl.multiple_of(q * 16, 16), 16)] = zeros16
            return c
        lax.fori_loop(0, 576, zero_aev, 0)

        def zero_pad(q, c):
            fcar[pl.ds(pl.multiple_of(q * 16, 16), 16)] = zeros16
            return c
        lax.fori_loop(36, 40, zero_pad, 0)

        def chunk(c, carry_):
            p = lax.iota(jnp.int32, 16) + c * 16
            ii = p // A
            jj = p - ii * A
            xi = plsc.load_gather(cbuf, [ii])
            yi = plsc.load_gather(cbuf, [ii + 24])
            zi = plsc.load_gather(cbuf, [ii + 48])
            xj = plsc.load_gather(cbuf, [jj])
            yj = plsc.load_gather(cbuf, [jj + 24])
            zj = plsc.load_gather(cbuf, [jj + 48])
            dx = xi - xj
            dy = yi - yj
            dz = zi - zj
            d2 = dx * dx + dy * dy + dz * dz + 1e-12
            r = _rsqrt16(d2)
            dv = d2 * r
            valid = ii != jj
            fcr = jnp.where(valid & (dv <= RCR), _cutoff16(dv, RCR), 0.0)
            fca = jnp.where(valid & (dv <= RCA), _cutoff16(dv, RCA), 0.0)
            act = jnp.where(fcr > 0.0, 1, 0).astype(jnp.int32)
            off = pl.ds(pl.multiple_of(c * 16, 16), 16)
            dref[off] = dv
            rref[off] = r
            dxr[off] = dx
            dyr[off] = dy
            dzr[off] = dz
            fcar[off] = fca
            fcrr[off] = fcr
            actr[off] = act
            return carry_
        lax.fori_loop(0, 36, chunk, 0)

        def rad(pq, carry_):
            act = _splat(actr, pq)[0]

            @pl.when(act > 0)
            def _():
                i = pq // A
                j = pq - i * A
                sj = _splat(sbuf, j)[0]
                td = _splat(dref, pq) - shfr_v
                v = (0.25 * _splat(fcrr, pq)) * jnp.exp(-16.0 * td * td)
                o = pl.multiple_of(i * 384 + sj * 16, 16)
                plsc.addupdate(aevb.at[pl.ds(o, 16)], v)
            return carry_
        lax.fori_loop(0, 576, rad, 0)

        def ang_i(i, carry_):
            pb = i * A
            j0 = lax.iota(jnp.int32, 16)
            f0 = plsc.load_gather(fcar, [pb + j0])
            m0 = f0 > 0.0
            c0 = plsc.cumsum(jnp.where(m0, 1, 0).astype(jnp.int32))
            plsc.store_scatter(nbr, [c0 - 1], j0, mask=m0)
            n0 = jnp.max(c0)
            j1 = j0 + 16
            f1 = plsc.load_gather(fcar, [pb + j1])
            m1 = (f1 > 0.0) & (j1 < A)
            c1 = plsc.cumsum(jnp.where(m1, 1, 0).astype(jnp.int32))
            plsc.store_scatter(nbr, [n0 + c1 - 1], j1, mask=m1)
            n = n0 + jnp.max(c1)

            def kkloop(kk, carry2):
                k = _splat(nbr, kk)[0]
                pk = pb + k
                dkv = _splat(dref, pk)
                rkv = _splat(rref, pk)
                dxk = _splat(dxr, pk)
                dyk = _splat(dyr, pk)
                dzk = _splat(dzr, pk)
                fk2 = 2.0 * _splat(fcar, pk)
                sk = _splat(sbuf, k)[0]

                def jjloop(jq, carry3):
                    j = _splat(nbr, jq)[0]
                    pj = pb + j
                    dot = _splat(dxr, pj) * dxk + _splat(dyr, pj) * dyk + _splat(dzr, pj) * dzk
                    cosang = jnp.clip(dot * _splat(rref, pj) * rkv, -1.0, 1.0)
                    cc = 0.95 * cosang
                    s2 = 1.0 - cc * cc
                    sv = s2 * _rsqrt16(s2)
                    g = 0.5 + cc * cz2_v + sv * sz2_v
                    for _ in range(5):
                        g = g * g
                    avg = (_splat(dref, pj) + dkv) * 0.5
                    t0 = avg - shfa0_v
                    t1 = avg - shfa1_v
                    gg = g * (_splat(fcar, pj) * fk2)
                    out0 = gg * jnp.exp(-8.0 * t0 * t0)
                    out1 = gg * jnp.exp(-8.0 * t1 * t1)
                    sj = _splat(sbuf, j)[0]
                    a_ = jnp.minimum(sj, sk)
                    b_ = jnp.maximum(sj, sk)
                    pairidx = a_ * 4 - (a_ * (a_ + 1)) // 2 + b_
                    o = pl.multiple_of(i * 384 + 64 + pairidx * 32, 32)
                    plsc.addupdate(aevb.at[pl.ds(o, 16)], out0)
                    plsc.addupdate(aevb.at[pl.ds(o + 16, 16)], out1)
                    return carry3
                lax.fori_loop(0, kk, jjloop, 0)
                return carry2
            lax.fori_loop(1, n, kkloop, 0)
            return carry_
        lax.fori_loop(0, A, ang_i, 0)

        pltpu.sync_copy(aevb, out_hbm.at[m])
        return carry
    lax.fori_loop(0, MB, per_mol, 0)


_aev_sc = functools.partial(
    pl.kernel,
    out_type=jax.ShapeDtypeStruct((N_MOL, 24 * 384), jnp.float32),
    mesh=plsc.VectorSubcoreMesh(core_axis_name="c", subcore_axis_name="s"),
    compiler_params=pltpu.CompilerParams(needs_layout_passes=False),
    scratch_types=[
        pltpu.VMEM((80,), jnp.float32),
        pltpu.VMEM((32,), jnp.int32),
        pltpu.VMEM((80,), jnp.float32),
        pltpu.VMEM((640,), jnp.float32),
        pltpu.VMEM((640,), jnp.float32),
        pltpu.VMEM((640,), jnp.float32),
        pltpu.VMEM((640,), jnp.float32),
        pltpu.VMEM((640,), jnp.float32),
        pltpu.VMEM((640,), jnp.float32),
        pltpu.VMEM((640,), jnp.float32),
        pltpu.VMEM((640,), jnp.int32),
        pltpu.VMEM((32,), jnp.int32),
        pltpu.VMEM((9216,), jnp.float32),
    ],
)(_aev_body)


_CONSTS = np.concatenate([_SHFR, _CZ2, _SZ2, _SHFA0, _SHFA1]).astype(np.float32)


def kernel(species, coords):
    n = coords.shape[0]
    cf = jnp.concatenate(
        [coords[..., 0], coords[..., 1], coords[..., 2],
         jnp.zeros((n, 8), coords.dtype)], axis=-1)
    sp = jnp.concatenate([species, jnp.zeros((n, 8), species.dtype)], axis=-1)
    aev = _aev_sc(cf, sp, jnp.asarray(_CONSTS)).reshape(n, A, 384)
    return (species, aev)

# --- scband reference (transcript-rebuilt; emitter-appended) ---
"""Pipeline reference for scband-aevcomputer-68762426409288 (READ-ONLY COPY).

The authoritative reference and input builder live on the scoring server;
editing this copy changes nothing except your own understanding.
"""

import jax, jax.numpy as jnp
import numpy as np

NUM_SPECIES = 4
NUM_PAIRS = NUM_SPECIES * (NUM_SPECIES + 1) // 2
RCR = 5.2
RCA = 3.5
ETA_R = 16.0
SHF_R = np.linspace(0.9, 5.2, 17)[:-1]  # 16 radial shifts (ANI-1x)
ETA_A = 8.0
ZETA = 32.0
SHF_A = np.linspace(0.9, 3.5, 5)[:-1]  # 4 angular radial shifts
SHF_Z = (np.arange(8) + 0.5) * np.pi / 8.0  # 8 angle shifts


def _triu_index(num_species):
    s1, s2 = np.triu_indices(num_species, 0)
    pair = np.arange(len(s1))
    ret = np.zeros((num_species, num_species), dtype=np.int32)
    ret[s1, s2] = pair
    ret[s2, s1] = pair
    return ret

TRIU = jnp.asarray(_triu_index(NUM_SPECIES))


def setup_inputs(seed: int = 0):
    key = jax.random.key(seed)
    k1, k2 = jax.random.split(key)
    species = jax.random.randint(k1, (128, 24), 0, NUM_SPECIES, dtype=jnp.int32)
    coords = jax.random.uniform(k2, (128, 24, 3), dtype=jnp.float32) * 8.0
    return {"species": species, "coords": coords}


def _cutoff(dist, rc):
    fc = 0.5 * jnp.cos(np.pi * dist / rc) + 0.5
    return jnp.where(dist <= rc, fc, 0.0)


def _aev(species, coords):
    N, A = species.shape
    diff = coords[:, :, None, :] - coords[:, None, :, :]  # (N,A,A,3): coords_i - coords_j
    dist2 = jnp.sum(diff * diff, axis=-1)
    eye = jnp.eye(A, dtype=bool)[None]
    dist = jnp.sqrt(jnp.where(eye, 1.0, dist2) + 1e-12)
    valid = ~eye
    # ---- radial AEV ----
    fcr = jnp.where(valid, _cutoff(dist, RCR), 0.0)
    shfr = jnp.asarray(SHF_R, dtype=coords.dtype)
    rad = 0.25 * jnp.exp(-ETA_R * (dist[..., None] - shfr) ** 2) * fcr[..., None]  # (N,A,A,16)
    onehot = jax.nn.one_hot(species, NUM_SPECIES, dtype=coords.dtype)  # (N,A,S)
    radial_aev = jnp.einsum('nijr,njs->nisr', rad, onehot).reshape(N, A, NUM_SPECIES * SHF_R.shape[0])
    # ---- angular AEV ----
    fca = jnp.where(valid, _cutoff(dist, RCA), 0.0)
    inv_d = 1.0 / dist
    cos_ang = jnp.einsum('nijx,nikx->nijk', diff, diff) * inv_d[:, :, :, None] * inv_d[:, :, None, :]
    cos_ang = jnp.clip(cos_ang, -1.0, 1.0)
    theta = jnp.arccos(0.95 * cos_ang)  # torchani 0.95 scaling for acos stability
    shfz = jnp.asarray(SHF_Z, dtype=coords.dtype)
    shfa = jnp.asarray(SHF_A, dtype=coords.dtype)
    factor1 = ((1.0 + jnp.cos(theta[..., None] - shfz)) / 2.0) ** ZETA  # (N,A,A,A,8)
    avg = (dist[:, :, :, None] + dist[:, :, None, :]) / 2.0
    factor2 = jnp.exp(-ETA_A * (avg[..., None] - shfa) ** 2)  # (N,A,A,A,4)
    fprod = fca[:, :, :, None] * fca[:, :, None, :]  # (N,A,A,A)
    jk_mask = jnp.triu(jnp.ones((A, A), dtype=bool), k=1)[None, None]  # count each (j,k) pair once
    ij_valid = valid[:, :, :, None] & valid[:, :, None, :]
    tri_mask = (jk_mask & ij_valid).astype(coords.dtype)
    ang = 2.0 * factor1[..., None, :] * factor2[..., :, None] * (fprod * tri_mask)[..., None, None]
    ang = ang.reshape(N, A, A, A, SHF_A.shape[0] * SHF_Z.shape[0])  # (N,A,A,A,32)
    pair_idx = TRIU[species[:, :, None], species[:, None, :]]  # (N,A,A)
    pair_oh = jax.nn.one_hot(pair_idx, NUM_PAIRS, dtype=coords.dtype)  # (N,A,A,10)
    angular_aev = jnp.einsum('nijkf,njkp->nipf', ang, pair_oh).reshape(N, A, NUM_PAIRS * 32)
    return jnp.concatenate([radial_aev, angular_aev], axis=-1)  # (N,A,384)


def reference(species, coords):
    aev = _aev(species, coords)
    return (species, aev)

if __name__ == "__main__":
    import jax
    _d = setup_inputs()
    print(jax.jit(kernel)(*tuple(_d.values())))

</pallas_src>

<mosaic_0001>
#map = affine_map<(d0, d1) -> (0, 0)>
#map1 = affine_map<(d0, d1) -> (0)>
module attributes {stable_mosaic.version = 14 : i64} {
  func.func @_aev_body(%arg0: i32, %arg1: i32, %arg2: memref<128x80xf32, #tpu.memory_space<hbm>>, %arg3: memref<128x32xi32, #tpu.memory_space<hbm>>, %arg4: memref<80xf32, #tpu.memory_space<hbm>>, %arg5: memref<128x9216xf32, #tpu.memory_space<hbm>>, %arg6: memref<80xf32, #tpu.memory_space<vmem>>, %arg7: memref<32xi32, #tpu.memory_space<vmem>>, %arg8: memref<80xf32, #tpu.memory_space<vmem>>, %arg9: memref<640xf32, #tpu.memory_space<vmem>>, %arg10: memref<640xf32, #tpu.memory_space<vmem>>, %arg11: memref<640xf32, #tpu.memory_space<vmem>>, %arg12: memref<640xf32, #tpu.memory_space<vmem>>, %arg13: memref<640xf32, #tpu.memory_space<vmem>>, %arg14: memref<640xf32, #tpu.memory_space<vmem>>, %arg15: memref<640xf32, #tpu.memory_space<vmem>>, %arg16: memref<640xi32, #tpu.memory_space<vmem>>, %arg17: memref<32xi32, #tpu.memory_space<vmem>>, %arg18: memref<9216xf32, #tpu.memory_space<vmem>>) attributes {dimension_semantics = [#tpu.dimension_semantics<core_parallel>, #tpu.dimension_semantics<subcore_parallel>], iteration_bounds = array<i64: 2, 16>, scalar_prefetch = 0 : i64, scratch_operands = 13 : i64, tpu.core_type = #tpu.core_type<sc_vector_subcore>, window_params = [{transform_indices = #map}, {transform_indices = #map}, {transform_indices = #map1}, {transform_indices = #map}]} {
    "tpu.region"() ({
      %run_scoped3A = tpu.sem_alloc : memref<!tpu.dma_semaphore, #tpu.memory_space<semaphore_mem>>
      tpu.enqueue_dma source(%arg4 : memref<80xf32, #tpu.memory_space<hbm>>) target(%arg8 : memref<80xf32, #tpu.memory_space<vmem>>) target_semaphore(%run_scoped3A : memref<!tpu.dma_semaphore, #tpu.memory_space<semaphore_mem>>)
      tpu.wait_dma2 semaphore(%run_scoped3A : memref<!tpu.dma_semaphore, #tpu.memory_space<semaphore_mem>>) src(%arg4 : memref<80xf32, #tpu.memory_space<hbm>>) dst(%arg8 : memref<80xf32, #tpu.memory_space<vmem>>)
      tpu.yield
    }) : () -> ()
    %get3A = arith.constant 0 : index
    %get3A_0 = tpu.vector_load %arg8[%get3A] {strides = array<i32>} : memref<80xf32, #tpu.memory_space<vmem>>, vector<16xf32>,
    %get3A_1 = arith.constant 16 : index
    %get3A_2 = tpu.vector_load %arg8[%get3A_1] {strides = array<i32>} : memref<80xf32, #tpu.memory_space<vmem>>, vector<16xf32>,
    %get3A_3 = arith.constant 32 : index
    %get3A_4 = tpu.vector_load %arg8[%get3A_3] {strides = array<i32>} : memref<80xf32, #tpu.memory_space<vmem>>, vector<16xf32>,
    %get3A_5 = arith.constant 48 : index
    %get3A_6 = tpu.vector_load %arg8[%get3A_5] {strides = array<i32>} : memref<80xf32, #tpu.memory_space<vmem>>, vector<16xf32>,
    %get3A_7 = arith.constant 64 : index
    %get3A_8 = tpu.vector_load %arg8[%get3A_7] {strides = array<i32>} : memref<80xf32, #tpu.memory_space<vmem>>, vector<16xf32>,
    %broadcast_in_dim3A = arith.constant 0.000000e+00 : f32
    %broadcast_in_dim3A_9 = vector.broadcast %broadcast_in_dim3A : f32 to vector<16xf32>
    %mul3A = arith.constant 2 : i32
    %mul3A_10 = arith.muli %arg1, %mul3A : i32
    %add3A = arith.addi %mul3A_10, %arg0 : i32
    %scan3A = arith.constant 0 : i32
    %scan3A_11 = arith.constant 0 : i32
    %scan3A_12 = arith.constant 4 : i32
    %scan3A_13 = arith.addi %scan3A_11, %scan3A_12 : i32
    %scan3A_14 = arith.constant 1 : i32
    scf.for %scan3A_16 = %scan3A_11 to %scan3A_13 step %scan3A_14  : i32 {
      %mul3A_17 = arith.constant 4 : i32
      %mul3A_18 = arith.muli %add3A, %mul3A_17 : i32
      %add3A_19 = arith.addi %mul3A_18, %scan3A_16 : i32
      "tpu.region"() ({
        %run_scoped3A = tpu.sem_alloc : memref<!tpu.dma_semaphore, #tpu.memory_space<semaphore_mem>>
        %dma_start3A = arith.constant 0 : i32
        %dma_start3A_50 = tpu.memref_slice %arg2[%add3A_19, %dma_start3A] : memref<128x80xf32, #tpu.memory_space<hbm>> -> memref<1x80xf32, #tpu.memory_space<hbm>>
        %dma_start3A_51 = tpu.memref_squeeze %dma_start3A_50 : memref<1x80xf32, #tpu.memory_space<hbm>> -> memref<80xf32, #tpu.memory_space<hbm>>
        %dma_start3A_52 = arith.constant 0 : i32
        %dma_start3A_53 = tpu.memref_slice %arg2[%add3A_19, %dma_start3A_52] : memref<128x80xf32, #tpu.memory_space<hbm>> -> memref<1x80xf32, #tpu.memory_space<hbm>>
        %dma_start3A_54 = tpu.memref_squeeze %dma_start3A_53 : memref<1x80xf32, #tpu.memory_space<hbm>> -> memref<80xf32, #tpu.memory_space<hbm>>
        tpu.enqueue_dma source(%dma_start3A_54 : memref<80xf32, #tpu.memory_space<hbm>>) target(%arg6 : memref<80xf32, #tpu.memory_space<vmem>>) target_semaphore(%run_scoped3A : memref<!tpu.dma_semaphore, #tpu.memory_space<semaphore_mem>>)
        %dma_wait3A = arith.constant 0 : i32
        %dma_wait3A_55 = tpu.memref_slice %arg2[%add3A_19, %dma_wait3A] : memref<128x80xf32, #tpu.memory_space<hbm>> -> memref<1x80xf32, #tpu.memory_space<hbm>>
        %dma_wait3A_56 = tpu.memref_squeeze %dma_wait3A_55 : memref<1x80xf32, #tpu.memory_space<hbm>> -> memref<80xf32, #tpu.memory_space<hbm>>
        %dma_wait3A_57 = arith.constant 0 : i32
        %dma_wait3A_58 = tpu.memref_slice %arg2[%add3A_19, %dma_wait3A_57] : memref<128x80xf32, #tpu.memory_space<hbm>> -> memref<1x80xf32, #tpu.memory_space<hbm>>
        %dma_wait3A_59 = tpu.memref_squeeze %dma_wait3A_58 : memref<1x80xf32, #tpu.memory_space<hbm>> -> memref<80xf32, #tpu.memory_space<hbm>>
        tpu.wait_dma2 semaphore(%run_scoped3A : memref<!tpu.dma_semaphore, #tpu.memory_space<semaphore_mem>>) src(%dma_wait3A_59 : memref<80xf32, #tpu.memory_space<hbm>>) dst(%arg6 : memref<80xf32, #tpu.memory_space<vmem>>)
        tpu.yield
      }) : () -> ()
      "tpu.region"() ({
        %run_scoped3A = tpu.sem_alloc : memref<!tpu.dma_semaphore, #tpu.memory_space<semaphore_mem>>
        %dma_start3A = arith.constant 0 : i32
        %dma_start3A_50 = tpu.memref_slice %arg3[%add3A_19, %dma_start3A] : memref<128x32xi32, #tpu.memory_space<hbm>> -> memref<1x32xi32, #tpu.memory_space<hbm>>
        %dma_start3A_51 = tpu.memref_squeeze %dma_start3A_50 : memref<1x32xi32, #tpu.memory_space<hbm>> -> memref<32xi32, #tpu.memory_space<hbm>>
        %dma_start3A_52 = arith.constant 0 : i32
        %dma_start3A_53 = tpu.memref_slice %arg3[%add3A_19, %dma_start3A_52] : memref<128x32xi32, #tpu.memory_space<hbm>> -> memref<1x32xi32, #tpu.memory_space<hbm>>
        %dma_start3A_54 = tpu.memref_squeeze %dma_start3A_53 : memref<1x32xi32, #tpu.memory_space<hbm>> -> memref<32xi32, #tpu.memory_space<hbm>>
        tpu.enqueue_dma source(%dma_start3A_54 : memref<32xi32, #tpu.memory_space<hbm>>) target(%arg7 : memref<32xi32, #tpu.memory_space<vmem>>) target_semaphore(%run_scoped3A : memref<!tpu.dma_semaphore, #tpu.memory_space<semaphore_mem>>)
        %dma_wait3A = arith.constant 0 : i32
        %dma_wait3A_55 = tpu.memref_slice %arg3[%add3A_19, %dma_wait3A] : memref<128x32xi32, #tpu.memory_space<hbm>> -> memref<1x32xi32, #tpu.memory_space<hbm>>
        %dma_wait3A_56 = tpu.memref_squeeze %dma_wait3A_55 : memref<1x32xi32, #tpu.memory_space<hbm>> -> memref<32xi32, #tpu.memory_space<hbm>>
        %dma_wait3A_57 = arith.constant 0 : i32
        %dma_wait3A_58 = tpu.memref_slice %arg3[%add3A_19, %dma_wait3A_57] : memref<128x32xi32, #tpu.memory_space<hbm>> -> memref<1x32xi32, #tpu.memory_space<hbm>>
        %dma_wait3A_59 = tpu.memref_squeeze %dma_wait3A_58 : memref<1x32xi32, #tpu.memory_space<hbm>> -> memref<32xi32, #tpu.memory_space<hbm>>
        tpu.wait_dma2 semaphore(%run_scoped3A : memref<!tpu.dma_semaphore, #tpu.memory_space<semaphore_mem>>) src(%dma_wait3A_59 : memref<32xi32, #tpu.memory_space<hbm>>) dst(%arg7 : memref<32xi32, #tpu.memory_space<vmem>>)
        tpu.yield
      }) : () -> ()
      %scan3A_20 = arith.constant 0 : i32
      %scan3A_21 = arith.constant 0 : i32
      %scan3A_22 = arith.constant 576 : i32
      %scan3A_23 = arith.addi %scan3A_21, %scan3A_22 : i32
      %scan3A_24 = arith.constant 1 : i32
      scf.for %scan3A_50 = %scan3A_21 to %scan3A_23 step %scan3A_24  : i32 {
        %mul3A_51 = arith.constant 16 : i32
        %mul3A_52 = arith.muli %scan3A_50, %mul3A_51 : i32
        %multiple_of3A = tpu.assume_multiple %mul3A_52, 16 : i32
        %swap3A = arith.index_cast %multiple_of3A : i32 to index
        %swap3A_53 = tpu.vector_load %arg18[%swap3A] {strides = array<i32>} : memref<9216xf32, #tpu.memory_space<vmem>>, vector<16xf32>,
        tpu.vector_store %arg18[%swap3A], %broadcast_in_dim3A_9 {strides = array<i32>} : memref<9216xf32, #tpu.memory_space<vmem>>, vector<16xf32>,
      }
      %scan3A_25 = arith.constant 576 : i32
      %scan3A_26 = arith.constant 0 : i32
      %scan3A_27 = arith.constant 36 : i32
      %scan3A_28 = arith.constant 4 : i32
      %scan3A_29 = arith.addi %scan3A_27, %scan3A_28 : i32
      %scan3A_30 = arith.constant 1 : i32
      scf.for %scan3A_50 = %scan3A_27 to %scan3A_29 step %scan3A_30  : i32 {
        %mul3A_51 = arith.constant 16 : i32
        %mul3A_52 = arith.muli %scan3A_50, %mul3A_51 : i32
        %multiple_of3A = tpu.assume_multiple %mul3A_52, 16 : i32
        %swap3A = arith.index_cast %multiple_of3A : i32 to index
        %swap3A_53 = tpu.vector_load %arg14[%swap3A] {strides = array<i32>} : memref<640xf32, #tpu.memory_space<vmem>>, vector<16xf32>,
        tpu.vector_store %arg14[%swap3A], %broadcast_in_dim3A_9 {strides = array<i32>} : memref<640xf32, #tpu.memory_space<vmem>>, vector<16xf32>,
      }
      %scan3A_31 = arith.constant 4 : i32
      %scan3A_32 = arith.constant 0 : i32
      %scan3A_33 = arith.constant 0 : i32
      %scan3A_34 = arith.constant 36 : i32
      %scan3A_35 = arith.addi %scan3A_33, %scan3A_34 : i32
      %scan3A_36 = arith.constant 1 : i32
      scf.for %scan3A_50 = %scan3A_33 to %scan3A_35 step %scan3A_36  : i32 {
        %iota3A = tpu.iota {dimensions = array<i32: 0>} : vector<16xi32>
        %mul3A_51 = arith.constant 16 : i32
        %mul3A_52 = arith.muli %scan3A_50, %mul3A_51 : i32
        %add3A_53 = vector.broadcast %mul3A_52 : i32 to vector<16xi32>
        %add3A_54 = arith.addi %iota3A, %add3A_53 : vector<16xi32>
        %jit3A = arith.constant 24 : i32
        %div3A = vector.broadcast %jit3A : i32 to vector<16xi32>
        %div3A_55 = arith.divsi %add3A_54, %div3A : vector<16xi32>
        %sign3A = arith.constant 0 : i32
        %sign3A_56 = vector.broadcast %sign3A : i32 to vector<16xi32>
        %sign3A_57 = arith.cmpi sgt, %add3A_54, %sign3A_56 : vector<16xi32>
        %sign3A_58 = arith.extui %sign3A_57 : vector<16xi1> to vector<16xi32>
        %sign3A_59 = arith.constant 0 : i32
        %sign3A_60 = vector.broadcast %sign3A_59 : i32 to vector<16xi32>
        %sign3A_61 = arith.cmpi slt, %add3A_54, %sign3A_60 : vector<16xi32>
        %sign3A_62 = arith.extui %sign3A_61 : vector<16xi1> to vector<16xi32>
        %sign3A_63 = arith.subi %sign3A_58, %sign3A_62 : vector<16xi32>
        %sign3A_64 = arith.constant 0 : i32
        %sign3A_65 = arith.cmpi sgt, %jit3A, %sign3A_64 : i32
        %sign3A_66 = arith.extui %sign3A_65 : i1 to i32
        %sign3A_67 = arith.constant 0 : i32
        %sign3A_68 = arith.cmpi slt, %jit3A, %sign3A_67 : i32
        %sign3A_69 = arith.extui %sign3A_68 : i1 to i32
        %sign3A_70 = arith.subi %sign3A_66, %sign3A_69 : i32
        %ne3A = vector.broadcast %sign3A_70 : i32 to vector<16xi32>
        %ne3A_71 = arith.cmpi ne, %sign3A_63, %ne3A : vector<16xi32>
        %rem3A = vector.broadcast %jit3A : i32 to vector<16xi32>
        %rem3A_72 = arith.remsi %add3A_54, %rem3A : vector<16xi32>
        %ne3A_73 = arith.constant 0 : i32
        %ne3A_74 = vector.broadcast %ne3A_73 : i32 to vector<16xi32>
        %ne3A_75 = arith.cmpi ne, %rem3A_72, %ne3A_74 : vector<16xi32>
        %and3A = arith.andi %ne3A_71, %ne3A_75 : vector<16xi1>
        %sub3A = arith.constant 1 : i32
        %sub3A_76 = vector.broadcast %sub3A : i32 to vector<16xi32>
        %sub3A_77 = arith.subi %div3A_55, %sub3A_76 : vector<16xi32>
        %select_n3A = arith.select %and3A, %sub3A_77, %div3A_55 : vector<16xi1>, vector<16xi32>
        %mul3A_78 = arith.constant 24 : i32
        %mul3A_79 = vector.broadcast %mul3A_78 : i32 to vector<16xi32>
        %mul3A_80 = arith.muli %select_n3A, %mul3A_79 : vector<16xi32>
        %sub3A_81 = arith.subi %add3A_54, %mul3A_80 : vector<16xi32>
        %gather3A = tpu.vector_load_idx %arg6[%select_n3A] : memref<80xf32, #tpu.memory_space<vmem>>[vector<16xi32>], vector<16xf32>,
        %add3A_82 = arith.constant 24 : i32
        %add3A_83 = vector.broadcast %add3A_82 : i32 to vector<16xi32>
        %add3A_84 = arith.addi %select_n3A, %add3A_83 : vector<16xi32>
        %gather3A_85 = tpu.vector_load_idx %arg6[%add3A_84] : memref<80xf32, #tpu.memory_space<vmem>>[vector<16xi32>], vector<16xf32>,
        %add3A_86 = arith.constant 48 : i32
        %add3A_87 = vector.broadcast %add3A_86 : i32 to vector<16xi32>
        %add3A_88 = arith.addi %select_n3A, %add3A_87 : vector<16xi32>
        %gather3A_89 = tpu.vector_load_idx %arg6[%add3A_88] : memref<80xf32, #tpu.memory_space<vmem>>[vector<16xi32>], vector<16xf32>,
        %gather3A_90 = tpu.vector_load_idx %arg6[%sub3A_81] : memref<80xf32, #tpu.memory_space<vmem>>[vector<16xi32>], vector<16xf32>,
        %add3A_91 = arith.constant 24 : i32
        %add3A_92 = vector.broadcast %add3A_91 : i32 to vector<16xi32>
        %add3A_93 = arith.addi %sub3A_81, %add3A_92 : vector<16xi32>
        %gather3A_94 = tpu.vector_load_idx %arg6[%add3A_93] : memref<80xf32, #tpu.memory_space<vmem>>[vector<16xi32>], vector<16xf32>,
        %add3A_95 = arith.constant 48 : i32
        %add3A_96 = vector.broadcast %add3A_95 : i32 to vector<16xi32>
        %add3A_97 = arith.addi %sub3A_81, %add3A_96 : vector<16xi32>
        %gather3A_98 = tpu.vector_load_idx %arg6[%add3A_97] : memref<80xf32, #tpu.memory_space<vmem>>[vector<16xi32>], vector<16xf32>,
        %sub3A_99 = arith.subf %gather3A, %gather3A_90 : vector<16xf32>
        %sub3A_100 = arith.subf %gather3A_85, %gather3A_94 : vector<16xf32>
        %sub3A_101 = arith.subf %gather3A_89, %gather3A_98 : vector<16xf32>
        %mul3A_102 = arith.mulf %sub3A_99, %sub3A_99 : vector<16xf32>
        %mul3A_103 = arith.mulf %sub3A_100, %sub3A_100 : vector<16xf32>
        %add3A_104 = arith.addf %mul3A_102, %mul3A_103 : vector<16xf32>
        %mul3A_105 = arith.mulf %sub3A_101, %sub3A_101 : vector<16xf32>
        %add3A_106 = arith.addf %add3A_104, %mul3A_105 : vector<16xf32>
        %add3A_107 = arith.constant 9.99999996E-13 : f32
        %add3A_108 = vector.broadcast %add3A_107 : f32 to vector<16xf32>
        %add3A_109 = arith.addf %add3A_106, %add3A_108 : vector<16xf32>
        %bitcast3A = vector.bitcast %add3A_109 : vector<16xf32> to vector<16xi32>
        %shift_right_arithmetic3A = arith.constant 1 : i32
        %shift_right_arithmetic3A_110 = vector.broadcast %shift_right_arithmetic3A : i32 to vector<16xi32>
        %shift_right_arithmetic3A_111 = arith.shrsi %bitcast3A, %shift_right_arithmetic3A_110 : vector<16xi32>
        %sub3A_112 = arith.constant 1597463007 : i32
        %sub3A_113 = vector.broadcast %sub3A_112 : i32 to vector<16xi32>
        %sub3A_114 = arith.subi %sub3A_113, %shift_right_arithmetic3A_111 : vector<16xi32>
        %bitcast3A_115 = vector.bitcast %sub3A_114 : vector<16xi32> to vector<16xf32>
        %mul3A_116 = arith.constant 5.000000e-01 : f32
        %mul3A_117 = vector.broadcast %mul3A_116 : f32 to vector<16xf32>
        %mul3A_118 = arith.mulf %mul3A_117, %add3A_109 : vector<16xf32>
        %mul3A_119 = arith.mulf %mul3A_118, %bitcast3A_115 : vector<16xf32>
        %mul3A_120 = arith.mulf %mul3A_119, %bitcast3A_115 : vector<16xf32>
        %sub3A_121 = arith.constant 1.500000e+00 : f32
        %sub3A_122 = vector.broadcast %sub3A_121 : f32 to vector<16xf32>
        %sub3A_123 = arith.subf %sub3A_122, %mul3A_120 : vector<16xf32>
        %mul3A_124 = arith.mulf %bitcast3A_115, %sub3A_123 : vector<16xf32>
        %mul3A_125 = arith.constant 5.000000e-01 : f32
        %mul3A_126 = vector.broadcast %mul3A_125 : f32 to vector<16xf32>
        %mul3A_127 = arith.mulf %mul3A_126, %add3A_109 : vector<16xf32>
        %mul3A_128 = arith.mulf %mul3A_127, %mul3A_124 : vector<16xf32>
        %mul3A_129 = arith.mulf %mul3A_128, %mul3A_124 : vector<16xf32>
        %sub3A_130 = arith.constant 1.500000e+00 : f32
        %sub3A_131 = vector.broadcast %sub3A_130 : f32 to vector<16xf32>
        %sub3A_132 = arith.subf %sub3A_131, %mul3A_129 : vector<16xf32>
        %mul3A_133 = arith.mulf %mul3A_124, %sub3A_132 : vector<16xf32>
        %mul3A_134 = arith.constant 5.000000e-01 : f32
        %mul3A_135 = vector.broadcast %mul3A_134 : f32 to vector<16xf32>
        %mul3A_136 = arith.mulf %mul3A_135, %add3A_109 : vector<16xf32>
        %mul3A_137 = arith.mulf %mul3A_136, %mul3A_133 : vector<16xf32>
        %mul3A_138 = arith.mulf %mul3A_137, %mul3A_133 : vector<16xf32>
        %sub3A_139 = arith.constant 1.500000e+00 : f32
        %sub3A_140 = vector.broadcast %sub3A_139 : f32 to vector<16xf32>
        %sub3A_141 = arith.subf %sub3A_140, %mul3A_138 : vector<16xf32>
        %mul3A_142 = arith.mulf %mul3A_133, %sub3A_141 : vector<16xf32>
        %mul3A_143 = arith.mulf %add3A_109, %mul3A_142 : vector<16xf32>
        %ne3A_144 = arith.cmpi ne, %select_n3A, %sub3A_81 : vector<16xi32>
        %le3A = arith.constant 5.200000e+00 : f32
        %le3A_145 = vector.broadcast %le3A : f32 to vector<16xf32>
        %le3A_146 = arith.cmpf ole, %mul3A_143, %le3A_145 : vector<16xf32>
        %and3A_147 = arith.andi %ne3A_144, %le3A_146 : vector<16xi1>
        %mul3A_148 = arith.constant 0.192307696 : f32
        %mul3A_149 = vector.broadcast %mul3A_148 : f32 to vector<16xf32>
        %mul3A_150 = arith.mulf %mul3A_143, %mul3A_149 : vector<16xf32>
        %sub3A_151 = arith.constant 5.000000e-01 : f32
        %sub3A_152 = vector.broadcast %sub3A_151 : f32 to vector<16xf32>
        %sub3A_153 = arith.subf %mul3A_150, %sub3A_152 : vector<16xf32>
        %mul3A_154 = arith.constant 3.14159274 : f32
        %mul3A_155 = vector.broadcast %mul3A_154 : f32 to vector<16xf32>
        %mul3A_156 = arith.mulf %mul3A_155, %sub3A_153 : vector<16xf32>
        %mul3A_157 = arith.mulf %mul3A_156, %mul3A_156 : vector<16xf32>
        %mul3A_158 = arith.constant 2.75573188E-6 : f32
        %mul3A_159 = vector.broadcast %mul3A_158 : f32 to vector<16xf32>
        %mul3A_160 = arith.mulf %mul3A_157, %mul3A_159 : vector<16xf32>
        %add3A_161 = arith.constant -1.98412701E-4 : f32
        %add3A_162 = vector.broadcast %add3A_161 : f32 to vector<16xf32>
        %add3A_163 = arith.addf %add3A_162, %mul3A_160 : vector<16xf32>
        %mul3A_164 = arith.mulf %mul3A_157, %add3A_163 : vector<16xf32>
        %add3A_165 = arith.constant 0.00833333377 : f32
        %add3A_166 = vector.broadcast %add3A_165 : f32 to vector<16xf32>
        %add3A_167 = arith.addf %add3A_166, %mul3A_164 : vector<16xf32>
        %mul3A_168 = arith.mulf %mul3A_157, %add3A_167 : vector<16xf32>
        %add3A_169 = arith.constant -0.166666672 : f32
        %add3A_170 = vector.broadcast %add3A_169 : f32 to vector<16xf32>
        %add3A_171 = arith.addf %add3A_170, %mul3A_168 : vector<16xf32>
        %mul3A_172 = arith.mulf %mul3A_157, %add3A_171 : vector<16xf32>
        %add3A_173 = arith.constant 1.000000e+00 : f32
        %add3A_174 = vector.broadcast %add3A_173 : f32 to vector<16xf32>
        %add3A_175 = arith.addf %add3A_174, %mul3A_172 : vector<16xf32>
        %mul3A_176 = arith.mulf %mul3A_156, %add3A_175 : vector<16xf32>
        %mul3A_177 = arith.constant 5.000000e-01 : f32
        %mul3A_178 = vector.broadcast %mul3A_177 : f32 to vector<16xf32>
        %mul3A_179 = arith.mulf %mul3A_178, %mul3A_176 : vector<16xf32>
        %sub3A_180 = arith.constant 5.000000e-01 : f32
        %sub3A_181 = vector.broadcast %sub3A_180 : f32 to vector<16xf32>
        %sub3A_182 = arith.subf %sub3A_181, %mul3A_179 : vector<16xf32>
        %jit3A_183 = arith.constant 0.000000e+00 : f32
        %broadcast_in_dim3A_184 = vector.broadcast %jit3A_183 : f32 to vector<16xf32>
        %select_n3A_185 = arith.select %and3A_147, %sub3A_182, %broadcast_in_dim3A_184 : vector<16xi1>, vector<16xf32>
        %le3A_186 = arith.constant 3.500000e+00 : f32
        %le3A_187 = vector.broadcast %le3A_186 : f32 to vector<16xf32>
        %le3A_188 = arith.cmpf ole, %mul3A_143, %le3A_187 : vector<16xf32>
        %and3A_189 = arith.andi %ne3A_144, %le3A_188 : vector<16xi1>
        %mul3A_190 = arith.constant 0.285714298 : f32
        %mul3A_191 = vector.broadcast %mul3A_190 : f32 to vector<16xf32>
        %mul3A_192 = arith.mulf %mul3A_143, %mul3A_191 : vector<16xf32>
        %sub3A_193 = arith.constant 5.000000e-01 : f32
        %sub3A_194 = vector.broadcast %sub3A_193 : f32 to vector<16xf32>
        %sub3A_195 = arith.subf %mul3A_192, %sub3A_194 : vector<16xf32>
        %mul3A_196 = arith.constant 3.14159274 : f32
        %mul3A_197 = vector.broadcast %mul3A_196 : f32 to vector<16xf32>
        %mul3A_198 = arith.mulf %mul3A_197, %sub3A_195 : vector<16xf32>
        %mul3A_199 = arith.mulf %mul3A_198, %mul3A_198 : vector<16xf32>
        %mul3A_200 = arith.constant 2.75573188E-6 : f32
        %mul3A_201 = vector.broadcast %mul3A_200 : f32 to vector<16xf32>
        %mul3A_202 = arith.mulf %mul3A_199, %mul3A_201 : vector<16xf32>
        %add3A_203 = arith.constant -1.98412701E-4 : f32
        %add3A_204 = vector.broadcast %add3A_203 : f32 to vector<16xf32>
        %add3A_205 = arith.addf %add3A_204, %mul3A_202 : vector<16xf32>
        %mul3A_206 = arith.mulf %mul3A_199, %add3A_205 : vector<16xf32>
        %add3A_207 = arith.constant 0.00833333377 : f32
        %add3A_208 = vector.broadcast %add3A_207 : f32 to vector<16xf32>
        %add3A_209 = arith.addf %add3A_208, %mul3A_206 : vector<16xf32>
        %mul3A_210 = arith.mulf %mul3A_199, %add3A_209 : vector<16xf32>
        %add3A_211 = arith.constant -0.166666672 : f32
        %add3A_212 = vector.broadcast %add3A_211 : f32 to vector<16xf32>
        %add3A_213 = arith.addf %add3A_212, %mul3A_210 : vector<16xf32>
        %mul3A_214 = arith.mulf %mul3A_199, %add3A_213 : vector<16xf32>
        %add3A_215 = arith.constant 1.000000e+00 : f32
        %add3A_216 = vector.broadcast %add3A_215 : f32 to vector<16xf32>
        %add3A_217 = arith.addf %add3A_216, %mul3A_214 : vector<16xf32>
        %mul3A_218 = arith.mulf %mul3A_198, %add3A_217 : vector<16xf32>
        %mul3A_219 = arith.constant 5.000000e-01 : f32
        %mul3A_220 = vector.broadcast %mul3A_219 : f32 to vector<16xf32>
        %mul3A_221 = arith.mulf %mul3A_220, %mul3A_218 : vector<16xf32>
        %sub3A_222 = arith.constant 5.000000e-01 : f32
        %sub3A_223 = vector.broadcast %sub3A_222 : f32 to vector<16xf32>
        %sub3A_224 = arith.subf %sub3A_223, %mul3A_221 : vector<16xf32>
        %jit3A_225 = arith.constant 0.000000e+00 : f32
        %broadcast_in_dim3A_226 = vector.broadcast %jit3A_225 : f32 to vector<16xf32>
        %select_n3A_227 = arith.select %and3A_189, %sub3A_224, %broadcast_in_dim3A_226 : vector<16xi1>, vector<16xf32>
        %gt3A = arith.constant 0.000000e+00 : f32
        %gt3A_228 = vector.broadcast %gt3A : f32 to vector<16xf32>
        %gt3A_229 = arith.cmpf ogt, %select_n3A_185, %gt3A_228 : vector<16xf32>
        %jit3A_230 = arith.constant 1 : i32
        %jit3A_231 = arith.constant 0 : i32
        %broadcast_in_dim3A_232 = vector.broadcast %jit3A_230 : i32 to vector<16xi32>
        %broadcast_in_dim3A_233 = vector.broadcast %jit3A_231 : i32 to vector<16xi32>
        %select_n3A_234 = arith.select %gt3A_229, %broadcast_in_dim3A_232, %broadcast_in_dim3A_233 : vector<16xi1>, vector<16xi32>
        %mul3A_235 = arith.constant 16 : i32
        %mul3A_236 = arith.muli %scan3A_50, %mul3A_235 : i32
        %multiple_of3A = tpu.assume_multiple %mul3A_236, 16 : i32
        %swap3A = arith.index_cast %multiple_of3A : i32 to index
        %swap3A_237 = tpu.vector_load %arg9[%swap3A] {strides = array<i32>} : memref<640xf32, #tpu.memory_space<vmem>>, vector<16xf32>,
        tpu.vector_store %arg9[%swap3A], %mul3A_143 {strides = array<i32>} : memref<640xf32, #tpu.memory_space<vmem>>, vector<16xf32>,
        %swap3A_238 = arith.index_cast %multiple_of3A : i32 to index
        %swap3A_239 = tpu.vector_load %arg10[%swap3A_238] {strides = array<i32>} : memref<640xf32, #tpu.memory_space<vmem>>, vector<16xf32>,
        tpu.vector_store %arg10[%swap3A_238], %mul3A_142 {strides = array<i32>} : memref<640xf32, #tpu.memory_space<vmem>>, vector<16xf32>,
        %swap3A_240 = arith.index_cast %multiple_of3A : i32 to index
        %swap3A_241 = tpu.vector_load %arg11[%swap3A_240] {strides = array<i32>} : memref<640xf32, #tpu.memory_space<vmem>>, vector<16xf32>,
        tpu.vector_store %arg11[%swap3A_240], %sub3A_99 {strides = array<i32>} : memref<640xf32, #tpu.memory_space<vmem>>, vector<16xf32>,
        %swap3A_242 = arith.index_cast %multiple_of3A : i32 to index
        %swap3A_243 = tpu.vector_load %arg12[%swap3A_242] {strides = array<i32>} : memref<640xf32, #tpu.memory_space<vmem>>, vector<16xf32>,
        tpu.vector_store %arg12[%swap3A_242], %sub3A_100 {strides = array<i32>} : memref<640xf32, #tpu.memory_space<vmem>>, vector<16xf32>,
        %swap3A_244 = arith.index_cast %multiple_of3A : i32 to index
        %swap3A_245 = tpu.vector_load %arg13[%swap3A_244] {strides = array<i32>} : memref<640xf32, #tpu.memory_space<vmem>>, vector<16xf32>,
        tpu.vector_store %arg13[%swap3A_244], %sub3A_101 {strides = array<i32>} : memref<640xf32, #tpu.memory_space<vmem>>, vector<16xf32>,
        %swap3A_246 = arith.index_cast %multiple_of3A : i32 to index
        %swap3A_247 = tpu.vector_load %arg14[%swap3A_246] {strides = array<i32>} : memref<640xf32, #tpu.memory_space<vmem>>, vector<16xf32>,
        tpu.vector_store %arg14[%swap3A_246], %select_n3A_227 {strides = array<i32>} : memref<640xf32, #tpu.memory_space<vmem>>, vector<16xf32>,
        %swap3A_248 = arith.index_cast %multiple_of3A : i32 to index
        %swap3A_249 = tpu.vector_load %arg15[%swap3A_248] {strides = array<i32>} : memref<640xf32, #tpu.memory_space<vmem>>, vector<16xf32>,
        tpu.vector_store %arg15[%swap3A_248], %select_n3A_185 {strides = array<i32>} : memref<640xf32, #tpu.memory_space<vmem>>, vector<16xf32>,
        %swap3A_250 = arith.index_cast %multiple_of3A : i32 to index
        %swap3A_251 = tpu.vector_load %arg16[%swap3A_250] {strides = array<i32>} : memref<640xi32, #tpu.memory_space<vmem>>, vector<16xi32>,
        tpu.vector_store %arg16[%swap3A_250], %select_n3A_234 {strides = array<i32>} : memref<640xi32, #tpu.memory_space<vmem>>, vector<16xi32>,
      }
      %scan3A_37 = arith.constant 36 : i32
      %scan3A_38 = arith.constant 0 : i32
      %scan3A_39 = arith.constant 0 : i32
      %scan3A_40 = arith.constant 576 : i32
      %scan3A_41 = arith.addi %scan3A_39, %scan3A_40 : i32
      %scan3A_42 = arith.constant 1 : i32
      scf.for %scan3A_50 = %scan3A_39 to %scan3A_41 step %scan3A_42  : i32 {
        %broadcast_in_dim3A_51 = vector.broadcast %scan3A_50 : i32 to vector<16xi32>
        %gather3A = tpu.vector_load_idx %arg16[%broadcast_in_dim3A_51] : memref<640xi32, #tpu.memory_space<vmem>>[vector<16xi32>], vector<16xi32>,
        %slice3A = vector.extract_strided_slice %gather3A {offsets = [0], sizes = [1], strides = [1]} : vector<16xi32> to vector<1xi32>
        %squeeze3A = vector.extract %slice3A[0] : i32 from vector<1xi32>
        %gt3A = arith.constant 0 : i32
        %gt3A_52 = arith.cmpi sgt, %squeeze3A, %gt3A : i32
        %convert_element_type3A = arith.extui %gt3A_52 : i1 to i32
        %cond3A = arith.constant 0 : i32
        %cond3A_53 = arith.cmpi ne, %convert_element_type3A, %cond3A : i32
        scf.if %cond3A_53 {
          %jit3A = arith.constant 24 : i32
          %div3A = arith.divsi %scan3A_50, %jit3A : i32
          %sign3A = arith.constant 0 : i32
          %sign3A_54 = arith.cmpi sgt, %scan3A_50, %sign3A : i32
          %sign3A_55 = arith.extui %sign3A_54 : i1 to i32
          %sign3A_56 = arith.constant 0 : i32
          %sign3A_57 = arith.cmpi slt, %scan3A_50, %sign3A_56 : i32
          %sign3A_58 = arith.extui %sign3A_57 : i1 to i32
          %sign3A_59 = arith.subi %sign3A_55, %sign3A_58 : i32
          %sign3A_60 = arith.constant 0 : i32
          %sign3A_61 = arith.cmpi sgt, %jit3A, %sign3A_60 : i32
          %sign3A_62 = arith.extui %sign3A_61 : i1 to i32
          %sign3A_63 = arith.constant 0 : i32
          %sign3A_64 = arith.cmpi slt, %jit3A, %sign3A_63 : i32
          %sign3A_65 = arith.extui %sign3A_64 : i1 to i32
          %sign3A_66 = arith.subi %sign3A_62, %sign3A_65 : i32
          %ne3A = arith.cmpi ne, %sign3A_59, %sign3A_66 : i32
          %rem3A = arith.remsi %scan3A_50, %jit3A : i32
          %ne3A_67 = arith.constant 0 : i32
          %ne3A_68 = arith.cmpi ne, %rem3A, %ne3A_67 : i32
          %and3A = arith.andi %ne3A, %ne3A_68 : i1
          %sub3A = arith.constant 1 : i32
          %sub3A_69 = arith.subi %div3A, %sub3A : i32
          %select_n3A = arith.select %and3A, %sub3A_69, %div3A : i32
          %mul3A_70 = arith.constant 24 : i32
          %mul3A_71 = arith.muli %select_n3A, %mul3A_70 : i32
          %sub3A_72 = arith.subi %scan3A_50, %mul3A_71 : i32
          %broadcast_in_dim3A_73 = vector.broadcast %sub3A_72 : i32 to vector<16xi32>
          %gather3A_74 = tpu.vector_load_idx %arg7[%broadcast_in_dim3A_73] : memref<32xi32, #tpu.memory_space<vmem>>[vector<16xi32>], vector<16xi32>,
          %slice3A_75 = vector.extract_strided_slice %gather3A_74 {offsets = [0], sizes = [1], strides = [1]} : vector<16xi32> to vector<1xi32>
          %squeeze3A_76 = vector.extract %slice3A_75[0] : i32 from vector<1xi32>
          %broadcast_in_dim3A_77 = vector.broadcast %scan3A_50 : i32 to vector<16xi32>
          %gather3A_78 = tpu.vector_load_idx %arg9[%broadcast_in_dim3A_77] : memref<640xf32, #tpu.memory_space<vmem>>[vector<16xi32>], vector<16xf32>,
          %sub3A_79 = arith.subf %gather3A_78, %get3A_0 : vector<16xf32>
          %broadcast_in_dim3A_80 = vector.broadcast %scan3A_50 : i32 to vector<16xi32>
          %gather3A_81 = tpu.vector_load_idx %arg15[%broadcast_in_dim3A_80] : memref<640xf32, #tpu.memory_space<vmem>>[vector<16xi32>], vector<16xf32>,
          %mul3A_82 = arith.constant 2.500000e-01 : f32
          %mul3A_83 = vector.broadcast %mul3A_82 : f32 to vector<16xf32>
          %mul3A_84 = arith.mulf %mul3A_83, %gather3A_81 : vector<16xf32>
          %mul3A_85 = arith.constant -1.600000e+01 : f32
          %mul3A_86 = vector.broadcast %mul3A_85 : f32 to vector<16xf32>
          %mul3A_87 = arith.mulf %mul3A_86, %sub3A_79 : vector<16xf32>
          %mul3A_88 = arith.mulf %mul3A_87, %sub3A_79 : vector<16xf32>
          %exp3A = math.exp %mul3A_88 : vector<16xf32>
          %mul3A_89 = arith.mulf %mul3A_84, %exp3A : vector<16xf32>
          %mul3A_90 = arith.constant 384 : i32
          %mul3A_91 = arith.muli %select_n3A, %mul3A_90 : i32
          %mul3A_92 = arith.constant 16 : i32
          %mul3A_93 = arith.muli %squeeze3A_76, %mul3A_92 : i32
          %add3A_94 = arith.addi %mul3A_91, %mul3A_93 : i32
          %multiple_of3A = tpu.assume_multiple %add3A_94, 16 : i32
          %swap3A = arith.index_cast %multiple_of3A : i32 to index
          %swap3A_95 = tpu.vector_load %arg18[%swap3A] {strides = array<i32>} : memref<9216xf32, #tpu.memory_space<vmem>>, vector<16xf32>,
          tpu.vector_store %arg18[%swap3A], %mul3A_89 {add = true, strides = array<i32>} : memref<9216xf32, #tpu.memory_space<vmem>>, vector<16xf32>,
        } else {
        }
      }
      %scan3A_43 = arith.constant 576 : i32
      %scan3A_44 = arith.constant 0 : i32
      %scan3A_45 = arith.constant 0 : i32
      %scan3A_46 = arith.constant 24 : i32
      %scan3A_47 = arith.addi %scan3A_45, %scan3A_46 : i32
      %scan3A_48 = arith.constant 1 : i32
      scf.for %scan3A_50 = %scan3A_45 to %scan3A_47 step %scan3A_48  : i32 {
        %mul3A_51 = arith.constant 24 : i32
        %mul3A_52 = arith.muli %scan3A_50, %mul3A_51 : i32
        %iota3A = tpu.iota {dimensions = array<i32: 0>} : vector<16xi32>
        %add3A_53 = vector.broadcast %mul3A_52 : i32 to vector<16xi32>
        %add3A_54 = arith.addi %add3A_53, %iota3A : vector<16xi32>
        %gather3A = tpu.vector_load_idx %arg14[%add3A_54] : memref<640xf32, #tpu.memory_space<vmem>>[vector<16xi32>], vector<16xf32>,
        %gt3A = arith.constant 0.000000e+00 : f32
        %gt3A_55 = vector.broadcast %gt3A : f32 to vector<16xf32>
        %gt3A_56 = arith.cmpf ogt, %gather3A, %gt3A_55 : vector<16xf32>
        %jit3A = arith.constant 1 : i32
        %jit3A_57 = arith.constant 0 : i32
        %broadcast_in_dim3A_58 = vector.broadcast %jit3A : i32 to vector<16xi32>
        %broadcast_in_dim3A_59 = vector.broadcast %jit3A_57 : i32 to vector<16xi32>
        %select_n3A = arith.select %gt3A_56, %broadcast_in_dim3A_58, %broadcast_in_dim3A_59 : vector<16xi1>, vector<16xi32>
        %broadcast_in_dim3A_60 = arith.constant true
        %broadcast_in_dim3A_61 = vector.broadcast %broadcast_in_dim3A_60 : i1 to vector<16xi1>
        %masked_cumsum3A = tpu.scan <sum>, %select_n3A masked %broadcast_in_dim3A_61 : vector<16xi32>, vector<16xi1> -> vector<16xi32>
        %sub3A = arith.constant 1 : i32
        %sub3A_62 = vector.broadcast %sub3A : i32 to vector<16xi32>
        %sub3A_63 = arith.subi %masked_cumsum3A, %sub3A_62 : vector<16xi32>
        tpu.vector_store_idx %arg17[%sub3A_63], %iota3A masked %gt3A_56 : memref<32xi32, #tpu.memory_space<vmem>>[vector<16xi32>], vector<16xi32>, vector<16xi1>
        %reduce_max3A = arith.constant true
        %reduce_max3A_64 = vector.broadcast %reduce_max3A : i1 to vector<16xi1>
        %reduce_max3A_65 = arith.constant -2147483648 : i32
        %reduce_max3A_66 = vector.broadcast %reduce_max3A_65 : i32 to vector<16xi32>
        %reduce_max3A_67 = arith.xori %masked_cumsum3A, %reduce_max3A_66 : vector<16xi32>
        %reduce_max3A_68 = tpu.scan <max>, %reduce_max3A_67 masked %reduce_max3A_64 : vector<16xi32>, vector<16xi1> -> vector<16xi32>
        %reduce_max3A_69 = arith.xori %reduce_max3A_68, %reduce_max3A_66 : vector<16xi32>
        %reduce_max3A_70 = vector.extract %reduce_max3A_69[15] : i32 from vector<16xi32>
        %add3A_71 = arith.constant 16 : i32
        %add3A_72 = vector.broadcast %add3A_71 : i32 to vector<16xi32>
        %add3A_73 = arith.addi %iota3A, %add3A_72 : vector<16xi32>
        %add3A_74 = vector.broadcast %mul3A_52 : i32 to vector<16xi32>
        %add3A_75 = arith.addi %add3A_74, %add3A_73 : vector<16xi32>
        %gather3A_76 = tpu.vector_load_idx %arg14[%add3A_75] : memref<640xf32, #tpu.memory_space<vmem>>[vector<16xi32>], vector<16xf32>,
        %gt3A_77 = arith.constant 0.000000e+00 : f32
        %gt3A_78 = vector.broadcast %gt3A_77 : f32 to vector<16xf32>
        %gt3A_79 = arith.cmpf ogt, %gather3A_76, %gt3A_78 : vector<16xf32>
        %lt3A = arith.constant 24 : i32
        %lt3A_80 = vector.broadcast %lt3A : i32 to vector<16xi32>
        %lt3A_81 = arith.cmpi slt, %add3A_73, %lt3A_80 : vector<16xi32>
        %and3A = arith.andi %gt3A_79, %lt3A_81 : vector<16xi1>
        %jit3A_82 = arith.constant 1 : i32
        %jit3A_83 = arith.constant 0 : i32
        %broadcast_in_dim3A_84 = vector.broadcast %jit3A_82 : i32 to vector<16xi32>
        %broadcast_in_dim3A_85 = vector.broadcast %jit3A_83 : i32 to vector<16xi32>
        %select_n3A_86 = arith.select %and3A, %broadcast_in_dim3A_84, %broadcast_in_dim3A_85 : vector<16xi1>, vector<16xi32>
        %broadcast_in_dim3A_87 = arith.constant true
        %broadcast_in_dim3A_88 = vector.broadcast %broadcast_in_dim3A_87 : i1 to vector<16xi1>
        %masked_cumsum3A_89 = tpu.scan <sum>, %select_n3A_86 masked %broadcast_in_dim3A_88 : vector<16xi32>, vector<16xi1> -> vector<16xi32>
        %add3A_90 = vector.broadcast %reduce_max3A_70 : i32 to vector<16xi32>
        %add3A_91 = arith.addi %add3A_90, %masked_cumsum3A_89 : vector<16xi32>
        %sub3A_92 = arith.constant 1 : i32
        %sub3A_93 = vector.broadcast %sub3A_92 : i32 to vector<16xi32>
        %sub3A_94 = arith.subi %add3A_91, %sub3A_93 : vector<16xi32>
        tpu.vector_store_idx %arg17[%sub3A_94], %add3A_73 masked %and3A : memref<32xi32, #tpu.memory_space<vmem>>[vector<16xi32>], vector<16xi32>, vector<16xi1>
        %reduce_max3A_95 = arith.constant true
        %reduce_max3A_96 = vector.broadcast %reduce_max3A_95 : i1 to vector<16xi1>
        %reduce_max3A_97 = arith.constant -2147483648 : i32
        %reduce_max3A_98 = vector.broadcast %reduce_max3A_97 : i32 to vector<16xi32>
        %reduce_max3A_99 = arith.xori %masked_cumsum3A_89, %reduce_max3A_98 : vector<16xi32>
        %reduce_max3A_100 = tpu.scan <max>, %reduce_max3A_99 masked %reduce_max3A_96 : vector<16xi32>, vector<16xi1> -> vector<16xi32>
        %reduce_max3A_101 = arith.xori %reduce_max3A_100, %reduce_max3A_98 : vector<16xi32>
        %reduce_max3A_102 = vector.extract %reduce_max3A_101[15] : i32 from vector<16xi32>
        %add3A_103 = arith.addi %reduce_max3A_70, %reduce_max3A_102 : i32
        %while3A = arith.constant 0 : i32
        %while3A_104 = arith.constant 1 : i32
        %while3A_105 = arith.subi %add3A_103, %while3A_104 : i32
        %while3A_106 = arith.addi %while3A_104, %while3A_105 : i32
        %while3A_107 = arith.constant 1 : i32
        %while3A_108 = arith.divsi %while3A_105, %while3A_107 : i32
        %while3A_109 = arith.muli %while3A_108, %while3A_107 : i32
        %while3A_110 = arith.addi %while3A_104, %while3A_109 : i32
        %while3A_111 = arith.constant 1 : i32
        scf.for %while3A_113 = %while3A_104 to %while3A_110 step %while3A_111  : i32 {
          %broadcast_in_dim3A_114 = vector.broadcast %while3A_113 : i32 to vector<16xi32>
          %gather3A_115 = tpu.vector_load_idx %arg17[%broadcast_in_dim3A_114] : memref<32xi32, #tpu.memory_space<vmem>>[vector<16xi32>], vector<16xi32>,
          %slice3A = vector.extract_strided_slice %gather3A_115 {offsets = [0], sizes = [1], strides = [1]} : vector<16xi32> to vector<1xi32>
          %squeeze3A = vector.extract %slice3A[0] : i32 from vector<1xi32>
          %add3A_116 = arith.addi %mul3A_52, %squeeze3A : i32
          %broadcast_in_dim3A_117 = vector.broadcast %add3A_116 : i32 to vector<16xi32>
          %gather3A_118 = tpu.vector_load_idx %arg9[%broadcast_in_dim3A_117] : memref<640xf32, #tpu.memory_space<vmem>>[vector<16xi32>], vector<16xf32>,
          %broadcast_in_dim3A_119 = vector.broadcast %add3A_116 : i32 to vector<16xi32>
          %gather3A_120 = tpu.vector_load_idx %arg10[%broadcast_in_dim3A_119] : memref<640xf32, #tpu.memory_space<vmem>>[vector<16xi32>], vector<16xf32>,
          %broadcast_in_dim3A_121 = vector.broadcast %add3A_116 : i32 to vector<16xi32>
          %gather3A_122 = tpu.vector_load_idx %arg11[%broadcast_in_dim3A_121] : memref<640xf32, #tpu.memory_space<vmem>>[vector<16xi32>], vector<16xf32>,
          %broadcast_in_dim3A_123 = vector.broadcast %add3A_116 : i32 to vector<16xi32>
          %gather3A_124 = tpu.vector_load_idx %arg12[%broadcast_in_dim3A_123] : memref<640xf32, #tpu.memory_space<vmem>>[vector<16xi32>], vector<16xf32>,
          %broadcast_in_dim3A_125 = vector.broadcast %add3A_116 : i32 to vector<16xi32>
          %gather3A_126 = tpu.vector_load_idx %arg13[%broadcast_in_dim3A_125] : memref<640xf32, #tpu.memory_space<vmem>>[vector<16xi32>], vector<16xf32>,
          %broadcast_in_dim3A_127 = vector.broadcast %add3A_116 : i32 to vector<16xi32>
          %gather3A_128 = tpu.vector_load_idx %arg14[%broadcast_in_dim3A_127] : memref<640xf32, #tpu.memory_space<vmem>>[vector<16xi32>], vector<16xf32>,
          %mul3A_129 = arith.constant 2.000000e+00 : f32
          %mul3A_130 = vector.broadcast %mul3A_129 : f32 to vector<16xf32>
          %mul3A_131 = arith.mulf %mul3A_130, %gather3A_128 : vector<16xf32>
          %broadcast_in_dim3A_132 = vector.broadcast %squeeze3A : i32 to vector<16xi32>
          %gather3A_133 = tpu.vector_load_idx %arg7[%broadcast_in_dim3A_132] : memref<32xi32, #tpu.memory_space<vmem>>[vector<16xi32>], vector<16xi32>,
          %slice3A_134 = vector.extract_strided_slice %gather3A_133 {offsets = [0], sizes = [1], strides = [1]} : vector<16xi32> to vector<1xi32>
          %squeeze3A_135 = vector.extract %slice3A_134[0] : i32 from vector<1xi32>
          %while3A_136 = arith.constant 0 : i32
          %while3A_137 = arith.constant 0 : i32
          %while3A_138 = arith.subi %while3A_113, %while3A_137 : i32
          %while3A_139 = arith.addi %while3A_137, %while3A_138 : i32
          %while3A_140 = arith.constant 1 : i32
          %while3A_141 = arith.divsi %while3A_138, %while3A_140 : i32
          %while3A_142 = arith.muli %while3A_141, %while3A_140 : i32
          %while3A_143 = arith.addi %while3A_137, %while3A_142 : i32
          %while3A_144 = arith.constant 1 : i32
          scf.for %while3A_146 = %while3A_137 to %while3A_143 step %while3A_144  : i32 {
            %broadcast_in_dim3A_147 = vector.broadcast %while3A_146 : i32 to vector<16xi32>
            %gather3A_148 = tpu.vector_load_idx %arg17[%broadcast_in_dim3A_147] : memref<32xi32, #tpu.memory_space<vmem>>[vector<16xi32>], vector<16xi32>,
            %slice3A_149 = vector.extract_strided_slice %gather3A_148 {offsets = [0], sizes = [1], strides = [1]} : vector<16xi32> to vector<1xi32>
            %squeeze3A_150 = vector.extract %slice3A_149[0] : i32 from vector<1xi32>
            %add3A_151 = arith.addi %mul3A_52, %squeeze3A_150 : i32
            %broadcast_in_dim3A_152 = vector.broadcast %add3A_151 : i32 to vector<16xi32>
            %gather3A_153 = tpu.vector_load_idx %arg11[%broadcast_in_dim3A_152] : memref<640xf32, #tpu.memory_space<vmem>>[vector<16xi32>], vector<16xf32>,
            %mul3A_154 = arith.mulf %gather3A_153, %gather3A_122 : vector<16xf32>
            %broadcast_in_dim3A_155 = vector.broadcast %add3A_151 : i32 to vector<16xi32>
            %gather3A_156 = tpu.vector_load_idx %arg12[%broadcast_in_dim3A_155] : memref<640xf32, #tpu.memory_space<vmem>>[vector<16xi32>], vector<16xf32>,
            %mul3A_157 = arith.mulf %gather3A_156, %gather3A_124 : vector<16xf32>
            %add3A_158 = arith.addf %mul3A_154, %mul3A_157 : vector<16xf32>
            %broadcast_in_dim3A_159 = vector.broadcast %add3A_151 : i32 to vector<16xi32>
            %gather3A_160 = tpu.vector_load_idx %arg13[%broadcast_in_dim3A_159] : memref<640xf32, #tpu.memory_space<vmem>>[vector<16xi32>], vector<16xf32>,
            %mul3A_161 = arith.mulf %gather3A_160, %gather3A_126 : vector<16xf32>
            %add3A_162 = arith.addf %add3A_158, %mul3A_161 : vector<16xf32>
            %broadcast_in_dim3A_163 = vector.broadcast %add3A_151 : i32 to vector<16xi32>
            %gather3A_164 = tpu.vector_load_idx %arg10[%broadcast_in_dim3A_163] : memref<640xf32, #tpu.memory_space<vmem>>[vector<16xi32>], vector<16xf32>,
            %mul3A_165 = arith.mulf %add3A_162, %gather3A_164 : vector<16xf32>
            %mul3A_166 = arith.mulf %mul3A_165, %gather3A_120 : vector<16xf32>
            %jit3A_167 = arith.constant -1.000000e+00 : f32
            %jit3A_168 = arith.constant 1.000000e+00 : f32
            %max3A = vector.broadcast %jit3A_167 : f32 to vector<16xf32>
            %max3A_169 = arith.maximumf %max3A, %mul3A_166 : vector<16xf32>
            %min3A = vector.broadcast %jit3A_168 : f32 to vector<16xf32>
            %min3A_170 = arith.minimumf %min3A, %max3A_169 : vector<16xf32>
            %mul3A_171 = arith.constant 0.949999988 : f32
            %mul3A_172 = vector.broadcast %mul3A_171 : f32 to vector<16xf32>
            %mul3A_173 = arith.mulf %mul3A_172, %min3A_170 : vector<16xf32>
            %mul3A_174 = arith.mulf %mul3A_173, %mul3A_173 : vector<16xf32>
            %sub3A_175 = arith.constant 1.000000e+00 : f32
            %sub3A_176 = vector.broadcast %sub3A_175 : f32 to vector<16xf32>
            %sub3A_177 = arith.subf %sub3A_176, %mul3A_174 : vector<16xf32>
            %bitcast3A = vector.bitcast %sub3A_177 : vector<16xf32> to vector<16xi32>
            %shift_right_arithmetic3A = arith.constant 1 : i32
            %shift_right_arithmetic3A_178 = vector.broadcast %shift_right_arithmetic3A : i32 to vector<16xi32>
            %shift_right_arithmetic3A_179 = arith.shrsi %bitcast3A, %shift_right_arithmetic3A_178 : vector<16xi32>
            %sub3A_180 = arith.constant 1597463007 : i32
            %sub3A_181 = vector.broadcast %sub3A_180 : i32 to vector<16xi32>
            %sub3A_182 = arith.subi %sub3A_181, %shift_right_arithmetic3A_179 : vector<16xi32>
            %bitcast3A_183 = vector.bitcast %sub3A_182 : vector<16xi32> to vector<16xf32>
            %mul3A_184 = arith.constant 5.000000e-01 : f32
            %mul3A_185 = vector.broadcast %mul3A_184 : f32 to vector<16xf32>
            %mul3A_186 = arith.mulf %mul3A_185, %sub3A_177 : vector<16xf32>
            %mul3A_187 = arith.mulf %mul3A_186, %bitcast3A_183 : vector<16xf32>
            %mul3A_188 = arith.mulf %mul3A_187, %bitcast3A_183 : vector<16xf32>
            %sub3A_189 = arith.constant 1.500000e+00 : f32
            %sub3A_190 = vector.broadcast %sub3A_189 : f32 to vector<16xf32>
            %sub3A_191 = arith.subf %sub3A_190, %mul3A_188 : vector<16xf32>
            %mul3A_192 = arith.mulf %bitcast3A_183, %sub3A_191 : vector<16xf32>
            %mul3A_193 = arith.constant 5.000000e-01 : f32
            %mul3A_194 = vector.broadcast %mul3A_193 : f32 to vector<16xf32>
            %mul3A_195 = arith.mulf %mul3A_194, %sub3A_177 : vector<16xf32>
            %mul3A_196 = arith.mulf %mul3A_195, %mul3A_192 : vector<16xf32>
            %mul3A_197 = arith.mulf %mul3A_196, %mul3A_192 : vector<16xf32>
            %sub3A_198 = arith.constant 1.500000e+00 : f32
            %sub3A_199 = vector.broadcast %sub3A_198 : f32 to vector<16xf32>
            %sub3A_200 = arith.subf %sub3A_199, %mul3A_197 : vector<16xf32>
            %mul3A_201 = arith.mulf %mul3A_192, %sub3A_200 : vector<16xf32>
            %mul3A_202 = arith.constant 5.000000e-01 : f32
            %mul3A_203 = vector.broadcast %mul3A_202 : f32 to vector<16xf32>
            %mul3A_204 = arith.mulf %mul3A_203, %sub3A_177 : vector<16xf32>
            %mul3A_205 = arith.mulf %mul3A_204, %mul3A_201 : vector<16xf32>
            %mul3A_206 = arith.mulf %mul3A_205, %mul3A_201 : vector<16xf32>
            %sub3A_207 = arith.constant 1.500000e+00 : f32
            %sub3A_208 = vector.broadcast %sub3A_207 : f32 to vector<16xf32>
            %sub3A_209 = arith.subf %sub3A_208, %mul3A_206 : vector<16xf32>
            %mul3A_210 = arith.mulf %mul3A_201, %sub3A_209 : vector<16xf32>
            %mul3A_211 = arith.mulf %sub3A_177, %mul3A_210 : vector<16xf32>
            %mul3A_212 = arith.mulf %mul3A_173, %get3A_2 : vector<16xf32>
            %add3A_213 = arith.constant 5.000000e-01 : f32
            %add3A_214 = vector.broadcast %add3A_213 : f32 to vector<16xf32>
            %add3A_215 = arith.addf %add3A_214, %mul3A_212 : vector<16xf32>
            %mul3A_216 = arith.mulf %mul3A_211, %get3A_4 : vector<16xf32>
            %add3A_217 = arith.addf %add3A_215, %mul3A_216 : vector<16xf32>
            %mul3A_218 = arith.mulf %add3A_217, %add3A_217 : vector<16xf32>
            %mul3A_219 = arith.mulf %mul3A_218, %mul3A_218 : vector<16xf32>
            %mul3A_220 = arith.mulf %mul3A_219, %mul3A_219 : vector<16xf32>
            %mul3A_221 = arith.mulf %mul3A_220, %mul3A_220 : vector<16xf32>
            %mul3A_222 = arith.mulf %mul3A_221, %mul3A_221 : vector<16xf32>
            %broadcast_in_dim3A_223 = vector.broadcast %add3A_151 : i32 to vector<16xi32>
            %gather3A_224 = tpu.vector_load_idx %arg9[%broadcast_in_dim3A_223] : memref<640xf32, #tpu.memory_space<vmem>>[vector<16xi32>], vector<16xf32>,
            %add3A_225 = arith.addf %gather3A_224, %gather3A_118 : vector<16xf32>
            %mul3A_226 = arith.constant 5.000000e-01 : f32
            %mul3A_227 = vector.broadcast %mul3A_226 : f32 to vector<16xf32>
            %mul3A_228 = arith.mulf %add3A_225, %mul3A_227 : vector<16xf32>
            %sub3A_229 = arith.subf %mul3A_228, %get3A_6 : vector<16xf32>
            %sub3A_230 = arith.subf %mul3A_228, %get3A_8 : vector<16xf32>
            %broadcast_in_dim3A_231 = vector.broadcast %add3A_151 : i32 to vector<16xi32>
            %gather3A_232 = tpu.vector_load_idx %arg14[%broadcast_in_dim3A_231] : memref<640xf32, #tpu.memory_space<vmem>>[vector<16xi32>], vector<16xf32>,
            %mul3A_233 = arith.mulf %gather3A_232, %mul3A_131 : vector<16xf32>
            %mul3A_234 = arith.mulf %mul3A_222, %mul3A_233 : vector<16xf32>
            %mul3A_235 = arith.constant -8.000000e+00 : f32
            %mul3A_236 = vector.broadcast %mul3A_235 : f32 to vector<16xf32>
            %mul3A_237 = arith.mulf %mul3A_236, %sub3A_229 : vector<16xf32>
            %mul3A_238 = arith.mulf %mul3A_237, %sub3A_229 : vector<16xf32>
            %exp3A = math.exp %mul3A_238 : vector<16xf32>
            %mul3A_239 = arith.mulf %mul3A_234, %exp3A : vector<16xf32>
            %mul3A_240 = arith.constant -8.000000e+00 : f32
            %mul3A_241 = vector.broadcast %mul3A_240 : f32 to vector<16xf32>
            %mul3A_242 = arith.mulf %mul3A_241, %sub3A_230 : vector<16xf32>
            %mul3A_243 = arith.mulf %mul3A_242, %sub3A_230 : vector<16xf32>
            %exp3A_244 = math.exp %mul3A_243 : vector<16xf32>
            %mul3A_245 = arith.mulf %mul3A_234, %exp3A_244 : vector<16xf32>
            %broadcast_in_dim3A_246 = vector.broadcast %squeeze3A_150 : i32 to vector<16xi32>
            %gather3A_247 = tpu.vector_load_idx %arg7[%broadcast_in_dim3A_246] : memref<32xi32, #tpu.memory_space<vmem>>[vector<16xi32>], vector<16xi32>,
            %slice3A_248 = vector.extract_strided_slice %gather3A_247 {offsets = [0], sizes = [1], strides = [1]} : vector<16xi32> to vector<1xi32>
            %squeeze3A_249 = vector.extract %slice3A_248[0] : i32 from vector<1xi32>
            %min3A_250 = arith.minsi %squeeze3A_249, %squeeze3A_135 : i32
            %max3A_251 = arith.maxsi %squeeze3A_249, %squeeze3A_135 : i32
            %mul3A_252 = arith.constant 4 : i32
            %mul3A_253 = arith.muli %min3A_250, %mul3A_252 : i32
            %add3A_254 = arith.constant 1 : i32
            %add3A_255 = arith.addi %min3A_250, %add3A_254 : i32
            %mul3A_256 = arith.muli %min3A_250, %add3A_255 : i32
            %jit3A_257 = arith.constant 2 : i32
            %div3A = arith.divsi %mul3A_256, %jit3A_257 : i32
            %sign3A = arith.constant 0 : i32
            %sign3A_258 = arith.cmpi sgt, %mul3A_256, %sign3A : i32
            %sign3A_259 = arith.extui %sign3A_258 : i1 to i32
            %sign3A_260 = arith.constant 0 : i32
            %sign3A_261 = arith.cmpi slt, %mul3A_256, %sign3A_260 : i32
            %sign3A_262 = arith.extui %sign3A_261 : i1 to i32
            %sign3A_263 = arith.subi %sign3A_259, %sign3A_262 : i32
            %sign3A_264 = arith.constant 0 : i32
            %sign3A_265 = arith.cmpi sgt, %jit3A_257, %sign3A_264 : i32
            %sign3A_266 = arith.extui %sign3A_265 : i1 to i32
            %sign3A_267 = arith.constant 0 : i32
            %sign3A_268 = arith.cmpi slt, %jit3A_257, %sign3A_267 : i32
            %sign3A_269 = arith.extui %sign3A_268 : i1 to i32
            %sign3A_270 = arith.subi %sign3A_266, %sign3A_269 : i32
            %ne3A = arith.cmpi ne, %sign3A_263, %sign3A_270 : i32
            %rem3A = arith.remsi %mul3A_256, %jit3A_257 : i32
            %ne3A_271 = arith.constant 0 : i32
            %ne3A_272 = arith.cmpi ne, %rem3A, %ne3A_271 : i32
            %and3A_273 = arith.andi %ne3A, %ne3A_272 : i1
            %sub3A_274 = arith.constant 1 : i32
            %sub3A_275 = arith.subi %div3A, %sub3A_274 : i32
            %select_n3A_276 = arith.select %and3A_273, %sub3A_275, %div3A : i32
            %sub3A_277 = arith.subi %mul3A_253, %select_n3A_276 : i32
            %add3A_278 = arith.addi %sub3A_277, %max3A_251 : i32
            %mul3A_279 = arith.constant 384 : i32
            %mul3A_280 = arith.muli %scan3A_50, %mul3A_279 : i32
            %add3A_281 = arith.constant 64 : i32
            %add3A_282 = arith.addi %mul3A_280, %add3A_281 : i32
            %mul3A_283 = arith.constant 32 : i32
            %mul3A_284 = arith.muli %add3A_278, %mul3A_283 : i32
            %add3A_285 = arith.addi %add3A_282, %mul3A_284 : i32
            %multiple_of3A = tpu.assume_multiple %add3A_285, 32 : i32
            %swap3A = arith.index_cast %multiple_of3A : i32 to index
            %swap3A_286 = tpu.vector_load %arg18[%swap3A] {strides = array<i32>} : memref<9216xf32, #tpu.memory_space<vmem>>, vector<16xf32>,
            tpu.vector_store %arg18[%swap3A], %mul3A_239 {add = true, strides = array<i32>} : memref<9216xf32, #tpu.memory_space<vmem>>, vector<16xf32>,
            %add3A_287 = arith.constant 16 : i32
            %add3A_288 = arith.addi %multiple_of3A, %add3A_287 : i32
            %swap3A_289 = arith.index_cast %add3A_288 : i32 to index
            %swap3A_290 = tpu.vector_load %arg18[%swap3A_289] {strides = array<i32>} : memref<9216xf32, #tpu.memory_space<vmem>>, vector<16xf32>,
            tpu.vector_store %arg18[%swap3A_289], %mul3A_245 {add = true, strides = array<i32>} : memref<9216xf32, #tpu.memory_space<vmem>>, vector<16xf32>,
          }
          %while3A_145 = arith.constant 1 : i32
          scf.for %while3A_146 = %while3A_143 to %while3A_139 step %while3A_145  : i32 {
            %broadcast_in_dim3A_147 = vector.broadcast %while3A_146 : i32 to vector<16xi32>
            %gather3A_148 = tpu.vector_load_idx %arg17[%broadcast_in_dim3A_147] : memref<32xi32, #tpu.memory_space<vmem>>[vector<16xi32>], vector<16xi32>,
            %slice3A_149 = vector.extract_strided_slice %gather3A_148 {offsets = [0], sizes = [1], strides = [1]} : vector<16xi32> to vector<1xi32>
            %squeeze3A_150 = vector.extract %slice3A_149[0] : i32 from vector<1xi32>
            %add3A_151 = arith.addi %mul3A_52, %squeeze3A_150 : i32
            %broadcast_in_dim3A_152 = vector.broadcast %add3A_151 : i32 to vector<16xi32>
            %gather3A_153 = tpu.vector_load_idx %arg11[%broadcast_in_dim3A_152] : memref<640xf32, #tpu.memory_space<vmem>>[vector<16xi32>], vector<16xf32>,
            %mul3A_154 = arith.mulf %gather3A_153, %gather3A_122 : vector<16xf32>
            %broadcast_in_dim3A_155 = vector.broadcast %add3A_151 : i32 to vector<16xi32>
            %gather3A_156 = tpu.vector_load_idx %arg12[%broadcast_in_dim3A_155] : memref<640xf32, #tpu.memory_space<vmem>>[vector<16xi32>], vector<16xf32>,
            %mul3A_157 = arith.mulf %gather3A_156, %gather3A_124 : vector<16xf32>
            %add3A_158 = arith.addf %mul3A_154, %mul3A_157 : vector<16xf32>
            %broadcast_in_dim3A_159 = vector.broadcast %add3A_151 : i32 to vector<16xi32>
            %gather3A_160 = tpu.vector_load_idx %arg13[%broadcast_in_dim3A_159] : memref<640xf32, #tpu.memory_space<vmem>>[vector<16xi32>], vector<16xf32>,
            %mul3A_161 = arith.mulf %gather3A_160, %gather3A_126 : vector<16xf32>
            %add3A_162 = arith.addf %add3A_158, %mul3A_161 : vector<16xf32>
            %broadcast_in_dim3A_163 = vector.broadcast %add3A_151 : i32 to vector<16xi32>
            %gather3A_164 = tpu.vector_load_idx %arg10[%broadcast_in_dim3A_163] : memref<640xf32, #tpu.memory_space<vmem>>[vector<16xi32>], vector<16xf32>,
            %mul3A_165 = arith.mulf %add3A_162, %gather3A_164 : vector<16xf32>
            %mul3A_166 = arith.mulf %mul3A_165, %gather3A_120 : vector<16xf32>
            %jit3A_167 = arith.constant -1.000000e+00 : f32
            %jit3A_168 = arith.constant 1.000000e+00 : f32
            %max3A = vector.broadcast %jit3A_167 : f32 to vector<16xf32>
            %max3A_169 = arith.maximumf %max3A, %mul3A_166 : vector<16xf32>
            %min3A = vector.broadcast %jit3A_168 : f32 to vector<16xf32>
            %min3A_170 = arith.minimumf %min3A, %max3A_169 : vector<16xf32>
            %mul3A_171 = arith.constant 0.949999988 : f32
            %mul3A_172 = vector.broadcast %mul3A_171 : f32 to vector<16xf32>
            %mul3A_173 = arith.mulf %mul3A_172, %min3A_170 : vector<16xf32>
            %mul3A_174 = arith.mulf %mul3A_173, %mul3A_173 : vector<16xf32>
            %sub3A_175 = arith.constant 1.000000e+00 : f32
            %sub3A_176 = vector.broadcast %sub3A_175 : f32 to vector<16xf32>
            %sub3A_177 = arith.subf %sub3A_176, %mul3A_174 : vector<16xf32>
            %bitcast3A = vector.bitcast %sub3A_177 : vector<16xf32> to vector<16xi32>
            %shift_right_arithmetic3A = arith.constant 1 : i32
            %shift_right_arithmetic3A_178 = vector.broadcast %shift_right_arithmetic3A : i32 to vector<16xi32>
            %shift_right_arithmetic3A_179 = arith.shrsi %bitcast3A, %shift_right_arithmetic3A_178 : vector<16xi32>
            %sub3A_180 = arith.constant 1597463007 : i32
            %sub3A_181 = vector.broadcast %sub3A_180 : i32 to vector<16xi32>
            %sub3A_182 = arith.subi %sub3A_181, %shift_right_arithmetic3A_179 : vector<16xi32>
            %bitcast3A_183 = vector.bitcast %sub3A_182 : vector<16xi32> to vector<16xf32>
            %mul3A_184 = arith.constant 5.000000e-01 : f32
            %mul3A_185 = vector.broadcast %mul3A_184 : f32 to vector<16xf32>
            %mul3A_186 = arith.mulf %mul3A_185, %sub3A_177 : vector<16xf32>
            %mul3A_187 = arith.mulf %mul3A_186, %bitcast3A_183 : vector<16xf32>
            %mul3A_188 = arith.mulf %mul3A_187, %bitcast3A_183 : vector<16xf32>
            %sub3A_189 = arith.constant 1.500000e+00 : f32
            %sub3A_190 = vector.broadcast %sub3A_189 : f32 to vector<16xf32>
            %sub3A_191 = arith.subf %sub3A_190, %mul3A_188 : vector<16xf32>
            %mul3A_192 = arith.mulf %bitcast3A_183, %sub3A_191 : vector<16xf32>
            %mul3A_193 = arith.constant 5.000000e-01 : f32
            %mul3A_194 = vector.broadcast %mul3A_193 : f32 to vector<16xf32>
            %mul3A_195 = arith.mulf %mul3A_194, %sub3A_177 : vector<16xf32>
            %mul3A_196 = arith.mulf %mul3A_195, %mul3A_192 : vector<16xf32>
            %mul3A_197 = arith.mulf %mul3A_196, %mul3A_192 : vector<16xf32>
            %sub3A_198 = arith.constant 1.500000e+00 : f32
            %sub3A_199 = vector.broadcast %sub3A_198 : f32 to vector<16xf32>
            %sub3A_200 = arith.subf %sub3A_199, %mul3A_197 : vector<16xf32>
            %mul3A_201 = arith.mulf %mul3A_192, %sub3A_200 : vector<16xf32>
            %mul3A_202 = arith.constant 5.000000e-01 : f32
            %mul3A_203 = vector.broadcast %mul3A_202 : f32 to vector<16xf32>
            %mul3A_204 = arith.mulf %mul3A_203, %sub3A_177 : vector<16xf32>
            %mul3A_205 = arith.mulf %mul3A_204, %mul3A_201 : vector<16xf32>
            %mul3A_206 = arith.mulf %mul3A_205, %mul3A_201 : vector<16xf32>
            %sub3A_207 = arith.constant 1.500000e+00 : f32
            %sub3A_208 = vector.broadcast %sub3A_207 : f32 to vector<16xf32>
            %sub3A_209 = arith.subf %sub3A_208, %mul3A_206 : vector<16xf32>
            %mul3A_210 = arith.mulf %mul3A_201, %sub3A_209 : vector<16xf32>
            %mul3A_211 = arith.mulf %sub3A_177, %mul3A_210 : vector<16xf32>
            %mul3A_212 = arith.mulf %mul3A_173, %get3A_2 : vector<16xf32>
            %add3A_213 = arith.constant 5.000000e-01 : f32
            %add3A_214 = vector.broadcast %add3A_213 : f32 to vector<16xf32>
            %add3A_215 = arith.addf %add3A_214, %mul3A_212 : vector<16xf32>
            %mul3A_216 = arith.mulf %mul3A_211, %get3A_4 : vector<16xf32>
            %add3A_217 = arith.addf %add3A_215, %mul3A_216 : vector<16xf32>
            %mul3A_218 = arith.mulf %add3A_217, %add3A_217 : vector<16xf32>
            %mul3A_219 = arith.mulf %mul3A_218, %mul3A_218 : vector<16xf32>
            %mul3A_220 = arith.mulf %mul3A_219, %mul3A_219 : vector<16xf32>
            %mul3A_221 = arith.mulf %mul3A_220, %mul3A_220 : vector<16xf32>
            %mul3A_222 = arith.mulf %mul3A_221, %mul3A_221 : vector<16xf32>
            %broadcast_in_dim3A_223 = vector.broadcast %add3A_151 : i32 to vector<16xi32>
            %gather3A_224 = tpu.vector_load_idx %arg9[%broadcast_in_dim3A_223] : memref<640xf32, #tpu.memory_space<vmem>>[vector<16xi32>], vector<16xf32>,
            %add3A_225 = arith.addf %gather3A_224, %gather3A_118 : vector<16xf32>
            %mul3A_226 = arith.constant 5.000000e-01 : f32
            %mul3A_227 = vector.broadcast %mul3A_226 : f32 to vector<16xf32>
            %mul3A_228 = arith.mulf %add3A_225, %mul3A_227 : vector<16xf32>
            %sub3A_229 = arith.subf %mul3A_228, %get3A_6 : vector<16xf32>
            %sub3A_230 = arith.subf %mul3A_228, %get3A_8 : vector<16xf32>
            %broadcast_in_dim3A_231 = vector.broadcast %add3A_151 : i32 to vector<16xi32>
            %gather3A_232 = tpu.vector_load_idx %arg14[%broadcast_in_dim3A_231] : memref<640xf32, #tpu.memory_space<vmem>>[vector<16xi32>], vector<16xf32>,
            %mul3A_233 = arith.mulf %gather3A_232, %mul3A_131 : vector<16xf32>
            %mul3A_234 = arith.mulf %mul3A_222, %mul3A_233 : vector<16xf32>
            %mul3A_235 = arith.constant -8.000000e+00 : f32
            %mul3A_236 = vector.broadcast %mul3A_235 : f32 to vector<16xf32>
            %mul3A_237 = arith.mulf %mul3A_236, %sub3A_229 : vector<16xf32>
            %mul3A_238 = arith.mulf %mul3A_237, %sub3A_229 : vector<16xf32>
            %exp3A = math.exp %mul3A_238 : vector<16xf32>
            %mul3A_239 = arith.mulf %mul3A_234, %exp3A : vector<16xf32>
            %mul3A_240 = arith.constant -8.000000e+00 : f32
            %mul3A_241 = vector.broadcast %mul3A_240 : f32 to vector<16xf32>
            %mul3A_242 = arith.mulf %mul3A_241, %sub3A_230 : vector<16xf32>
            %mul3A_243 = arith.mulf %mul3A_242, %sub3A_230 : vector<16xf32>
            %exp3A_244 = math.exp %mul3A_243 : vector<16xf32>
            %mul3A_245 = arith.mulf %mul3A_234, %exp3A_244 : vector<16xf32>
            %broadcast_in_dim3A_246 = vector.broadcast %squeeze3A_150 : i32 to vector<16xi32>
            %gather3A_247 = tpu.vector_load_idx %arg7[%broadcast_in_dim3A_246] : memref<32xi32, #tpu.memory_space<vmem>>[vector<16xi32>], vector<16xi32>,
            %slice3A_248 = vector.extract_strided_slice %gather3A_247 {offsets = [0], sizes = [1], strides = [1]} : vector<16xi32> to vector<1xi32>
            %squeeze3A_249 = vector.extract %slice3A_248[0] : i32 from vector<1xi32>
            %min3A_250 = arith.minsi %squeeze3A_249, %squeeze3A_135 : i32
            %max3A_251 = arith.maxsi %squeeze3A_249, %squeeze3A_135 : i32
            %mul3A_252 = arith.constant 4 : i32
            %mul3A_253 = arith.muli %min3A_250, %mul3A_252 : i32
            %add3A_254 = arith.constant 1 : i32
            %add3A_255 = arith.addi %min3A_250, %add3A_254 : i32
            %mul3A_256 = arith.muli %min3A_250, %add3A_255 : i32
            %jit3A_257 = arith.constant 2 : i32
            %div3A = arith.divsi %mul3A_256, %jit3A_257 : i32
            %sign3A = arith.constant 0 : i32
            %sign3A_258 = arith.cmpi sgt, %mul3A_256, %sign3A : i32
            %sign3A_259 = arith.extui %sign3A_258 : i1 to i32
            %sign3A_260 = arith.constant 0 : i32
            %sign3A_261 = arith.cmpi slt, %mul3A_256, %sign3A_260 : i32
            %sign3A_262 = arith.extui %sign3A_261 : i1 to i32
            %sign3A_263 = arith.subi %sign3A_259, %sign3A_262 : i32
            %sign3A_264 = arith.constant 0 : i32
            %sign3A_265 = arith.cmpi sgt, %jit3A_257, %sign3A_264 : i32
            %sign3A_266 = arith.extui %sign3A_265 : i1 to i32
            %sign3A_267 = arith.constant 0 : i32
            %sign3A_268 = arith.cmpi slt, %jit3A_257, %sign3A_267 : i32
            %sign3A_269 = arith.extui %sign3A_268 : i1 to i32
            %sign3A_270 = arith.subi %sign3A_266, %sign3A_269 : i32
            %ne3A = arith.cmpi ne, %sign3A_263, %sign3A_270 : i32
            %rem3A = arith.remsi %mul3A_256, %jit3A_257 : i32
            %ne3A_271 = arith.constant 0 : i32
            %ne3A_272 = arith.cmpi ne, %rem3A, %ne3A_271 : i32
            %and3A_273 = arith.andi %ne3A, %ne3A_272 : i1
            %sub3A_274 = arith.constant 1 : i32
            %sub3A_275 = arith.subi %div3A, %sub3A_274 : i32
            %select_n3A_276 = arith.select %and3A_273, %sub3A_275, %div3A : i32
            %sub3A_277 = arith.subi %mul3A_253, %select_n3A_276 : i32
            %add3A_278 = arith.addi %sub3A_277, %max3A_251 : i32
            %mul3A_279 = arith.constant 384 : i32
            %mul3A_280 = arith.muli %scan3A_50, %mul3A_279 : i32
            %add3A_281 = arith.constant 64 : i32
            %add3A_282 = arith.addi %mul3A_280, %add3A_281 : i32
            %mul3A_283 = arith.constant 32 : i32
            %mul3A_284 = arith.muli %add3A_278, %mul3A_283 : i32
            %add3A_285 = arith.addi %add3A_282, %mul3A_284 : i32
            %multiple_of3A = tpu.assume_multiple %add3A_285, 32 : i32
            %swap3A = arith.index_cast %multiple_of3A : i32 to index
            %swap3A_286 = tpu.vector_load %arg18[%swap3A] {strides = array<i32>} : memref<9216xf32, #tpu.memory_space<vmem>>, vector<16xf32>,
            tpu.vector_store %arg18[%swap3A], %mul3A_239 {add = true, strides = array<i32>} : memref<9216xf32, #tpu.memory_space<vmem>>, vector<16xf32>,
            %add3A_287 = arith.constant 16 : i32
            %add3A_288 = arith.addi %multiple_of3A, %add3A_287 : i32
            %swap3A_289 = arith.index_cast %add3A_288 : i32 to index
            %swap3A_290 = tpu.vector_load %arg18[%swap3A_289] {strides = array<i32>} : memref<9216xf32, #tpu.memory_space<vmem>>, vector<16xf32>,
            tpu.vector_store %arg18[%swap3A_289], %mul3A_245 {add = true, strides = array<i32>} : memref<9216xf32, #tpu.memory_space<vmem>>, vector<16xf32>,
          }
        }
        %while3A_112 = arith.constant 1 : i32
        scf.for %while3A_113 = %while3A_110 to %while3A_106 step %while3A_112  : i32 {
          %broadcast_in_dim3A_114 = vector.broadcast %while3A_113 : i32 to vector<16xi32>
          %gather3A_115 = tpu.vector_load_idx %arg17[%broadcast_in_dim3A_114] : memref<32xi32, #tpu.memory_space<vmem>>[vector<16xi32>], vector<16xi32>,
          %slice3A = vector.extract_strided_slice %gather3A_115 {offsets = [0], sizes = [1], strides = [1]} : vector<16xi32> to vector<1xi32>
          %squeeze3A = vector.extract %slice3A[0] : i32 from vector<1xi32>
          %add3A_116 = arith.addi %mul3A_52, %squeeze3A : i32
          %broadcast_in_dim3A_117 = vector.broadcast %add3A_116 : i32 to vector<16xi32>
          %gather3A_118 = tpu.vector_load_idx %arg9[%broadcast_in_dim3A_117] : memref<640xf32, #tpu.memory_space<vmem>>[vector<16xi32>], vector<16xf32>,
          %broadcast_in_dim3A_119 = vector.broadcast %add3A_116 : i32 to vector<16xi32>
          %gather3A_120 = tpu.vector_load_idx %arg10[%broadcast_in_dim3A_119] : memref<640xf32, #tpu.memory_space<vmem>>[vector<16xi32>], vector<16xf32>,
          %broadcast_in_dim3A_121 = vector.broadcast %add3A_116 : i32 to vector<16xi32>
          %gather3A_122 = tpu.vector_load_idx %arg11[%broadcast_in_dim3A_121] : memref<640xf32, #tpu.memory_space<vmem>>[vector<16xi32>], vector<16xf32>,
          %broadcast_in_dim3A_123 = vector.broadcast %add3A_116 : i32 to vector<16xi32>
          %gather3A_124 = tpu.vector_load_idx %arg12[%broadcast_in_dim3A_123] : memref<640xf32, #tpu.memory_space<vmem>>[vector<16xi32>], vector<16xf32>,
          %broadcast_in_dim3A_125 = vector.broadcast %add3A_116 : i32 to vector<16xi32>
          %gather3A_126 = tpu.vector_load_idx %arg13[%broadcast_in_dim3A_125] : memref<640xf32, #tpu.memory_space<vmem>>[vector<16xi32>], vector<16xf32>,
          %broadcast_in_dim3A_127 = vector.broadcast %add3A_116 : i32 to vector<16xi32>
          %gather3A_128 = tpu.vector_load_idx %arg14[%broadcast_in_dim3A_127] : memref<640xf32, #tpu.memory_space<vmem>>[vector<16xi32>], vector<16xf32>,
          %mul3A_129 = arith.constant 2.000000e+00 : f32
          %mul3A_130 = vector.broadcast %mul3A_129 : f32 to vector<16xf32>
          %mul3A_131 = arith.mulf %mul3A_130, %gather3A_128 : vector<16xf32>
          %broadcast_in_dim3A_132 = vector.broadcast %squeeze3A : i32 to vector<16xi32>
          %gather3A_133 = tpu.vector_load_idx %arg7[%broadcast_in_dim3A_132] : memref<32xi32, #tpu.memory_space<vmem>>[vector<16xi32>], vector<16xi32>,
          %slice3A_134 = vector.extract_strided_slice %gather3A_133 {offsets = [0], sizes = [1], strides = [1]} : vector<16xi32> to vector<1xi32>
          %squeeze3A_135 = vector.extract %slice3A_134[0] : i32 from vector<1xi32>
          %while3A_136 = arith.constant 0 : i32
          %while3A_137 = arith.constant 0 : i32
          %while3A_138 = arith.subi %while3A_113, %while3A_137 : i32
          %while3A_139 = arith.addi %while3A_137, %while3A_138 : i32
          %while3A_140 = arith.constant 1 : i32
          %while3A_141 = arith.divsi %while3A_138, %while3A_140 : i32
          %while3A_142 = arith.muli %while3A_141, %while3A_140 : i32
          %while3A_143 = arith.addi %while3A_137, %while3A_142 : i32
          %while3A_144 = arith.constant 1 : i32
          scf.for %while3A_146 = %while3A_137 to %while3A_143 step %while3A_144  : i32 {
            %broadcast_in_dim3A_147 = vector.broadcast %while3A_146 : i32 to vector<16xi32>
            %gather3A_148 = tpu.vector_load_idx %arg17[%broadcast_in_dim3A_147] : memref<32xi32, #tpu.memory_space<vmem>>[vector<16xi32>], vector<16xi32>,
            %slice3A_149 = vector.extract_strided_slice %gather3A_148 {offsets = [0], sizes = [1], strides = [1]} : vector<16xi32> to vector<1xi32>
            %squeeze3A_150 = vector.extract %slice3A_149[0] : i32 from vector<1xi32>
            %add3A_151 = arith.addi %mul3A_52, %squeeze3A_150 : i32
            %broadcast_in_dim3A_152 = vector.broadcast %add3A_151 : i32 to vector<16xi32>
            %gather3A_153 = tpu.vector_load_idx %arg11[%broadcast_in_dim3A_152] : memref<640xf32, #tpu.memory_space<vmem>>[vector<16xi32>], vector<16xf32>,
            %mul3A_154 = arith.mulf %gather3A_153, %gather3A_122 : vector<16xf32>
            %broadcast_in_dim3A_155 = vector.broadcast %add3A_151 : i32 to vector<16xi32>
            %gather3A_156 = tpu.vector_load_idx %arg12[%broadcast_in_dim3A_155] : memref<640xf32, #tpu.memory_space<vmem>>[vector<16xi32>], vector<16xf32>,
            %mul3A_157 = arith.mulf %gather3A_156, %gather3A_124 : vector<16xf32>
            %add3A_158 = arith.addf %mul3A_154, %mul3A_157 : vector<16xf32>
            %broadcast_in_dim3A_159 = vector.broadcast %add3A_151 : i32 to vector<16xi32>
            %gather3A_160 = tpu.vector_load_idx %arg13[%broadcast_in_dim3A_159] : memref<640xf32, #tpu.memory_space<vmem>>[vector<16xi32>], vector<16xf32>,
            %mul3A_161 = arith.mulf %gather3A_160, %gather3A_126 : vector<16xf32>
            %add3A_162 = arith.addf %add3A_158, %mul3A_161 : vector<16xf32>
            %broadcast_in_dim3A_163 = vector.broadcast %add3A_151 : i32 to vector<16xi32>
            %gather3A_164 = tpu.vector_load_idx %arg10[%broadcast_in_dim3A_163] : memref<640xf32, #tpu.memory_space<vmem>>[vector<16xi32>], vector<16xf32>,
            %mul3A_165 = arith.mulf %add3A_162, %gather3A_164 : vector<16xf32>
            %mul3A_166 = arith.mulf %mul3A_165, %gather3A_120 : vector<16xf32>
            %jit3A_167 = arith.constant -1.000000e+00 : f32
            %jit3A_168 = arith.constant 1.000000e+00 : f32
            %max3A = vector.broadcast %jit3A_167 : f32 to vector<16xf32>
            %max3A_169 = arith.maximumf %max3A, %mul3A_166 : vector<16xf32>
            %min3A = vector.broadcast %jit3A_168 : f32 to vector<16xf32>
            %min3A_170 = arith.minimumf %min3A, %max3A_169 : vector<16xf32>
            %mul3A_171 = arith.constant 0.949999988 : f32
            %mul3A_172 = vector.broadcast %mul3A_171 : f32 to vector<16xf32>
            %mul3A_173 = arith.mulf %mul3A_172, %min3A_170 : vector<16xf32>
            %mul3A_174 = arith.mulf %mul3A_173, %mul3A_173 : vector<16xf32>
            %sub3A_175 = arith.constant 1.000000e+00 : f32
            %sub3A_176 = vector.broadcast %sub3A_175 : f32 to vector<16xf32>
            %sub3A_177 = arith.subf %sub3A_176, %mul3A_174 : vector<16xf32>
            %bitcast3A = vector.bitcast %sub3A_177 : vector<16xf32> to vector<16xi32>
            %shift_right_arithmetic3A = arith.constant 1 : i32
            %shift_right_arithmetic3A_178 = vector.broadcast %shift_right_arithmetic3A : i32 to vector<16xi32>
            %shift_right_arithmetic3A_179 = arith.shrsi %bitcast3A, %shift_right_arithmetic3A_178 : vector<16xi32>
            %sub3A_180 = arith.constant 1597463007 : i32
            %sub3A_181 = vector.broadcast %sub3A_180 : i32 to vector<16xi32>
            %sub3A_182 = arith.subi %sub3A_181, %shift_right_arithmetic3A_179 : vector<16xi32>
            %bitcast3A_183 = vector.bitcast %sub3A_182 : vector<16xi32> to vector<16xf32>
            %mul3A_184 = arith.constant 5.000000e-01 : f32
            %mul3A_185 = vector.broadcast %mul3A_184 : f32 to vector<16xf32>
            %mul3A_186 = arith.mulf %mul3A_185, %sub3A_177 : vector<16xf32>
            %mul3A_187 = arith.mulf %mul3A_186, %bitcast3A_183 : vector<16xf32>
            %mul3A_188 = arith.mulf %mul3A_187, %bitcast3A_183 : vector<16xf32>
            %sub3A_189 = arith.constant 1.500000e+00 : f32
            %sub3A_190 = vector.broadcast %sub3A_189 : f32 to vector<16xf32>
            %sub3A_191 = arith.subf %sub3A_190, %mul3A_188 : vector<16xf32>
            %mul3A_192 = arith.mulf %bitcast3A_183, %sub3A_191 : vector<16xf32>
            %mul3A_193 = arith.constant 5.000000e-01 : f32
            %mul3A_194 = vector.broadcast %mul3A_193 : f32 to vector<16xf32>
            %mul3A_195 = arith.mulf %mul3A_194, %sub3A_177 : vector<16xf32>
            %mul3A_196 = arith.mulf %mul3A_195, %mul3A_192 : vector<16xf32>
            %mul3A_197 = arith.mulf %mul3A_196, %mul3A_192 : vector<16xf32>
            %sub3A_198 = arith.constant 1.500000e+00 : f32
            %sub3A_199 = vector.broadcast %sub3A_198 : f32 to vector<16xf32>
            %sub3A_200 = arith.subf %sub3A_199, %mul3A_197 : vector<16xf32>
            %mul3A_201 = arith.mulf %mul3A_192, %sub3A_200 : vector<16xf32>
            %mul3A_202 = arith.constant 5.000000e-01 : f32
            %mul3A_203 = vector.broadcast %mul3A_202 : f32 to vector<16xf32>
            %mul3A_204 = arith.mulf %mul3A_203, %sub3A_177 : vector<16xf32>
            %mul3A_205 = arith.mulf %mul3A_204, %mul3A_201 : vector<16xf32>
            %mul3A_206 = arith.mulf %mul3A_205, %mul3A_201 : vector<16xf32>
            %sub3A_207 = arith.constant 1.500000e+00 : f32
            %sub3A_208 = vector.broadcast %sub3A_207 : f32 to vector<16xf32>
            %sub3A_209 = arith.subf %sub3A_208, %mul3A_206 : vector<16xf32>
            %mul3A_210 = arith.mulf %mul3A_201, %sub3A_209 : vector<16xf32>
            %mul3A_211 = arith.mulf %sub3A_177, %mul3A_210 : vector<16xf32>
            %mul3A_212 = arith.mulf %mul3A_173, %get3A_2 : vector<16xf32>
            %add3A_213 = arith.constant 5.000000e-01 : f32
            %add3A_214 = vector.broadcast %add3A_213 : f32 to vector<16xf32>
            %add3A_215 = arith.addf %add3A_214, %mul3A_212 : vector<16xf32>
            %mul3A_216 = arith.mulf %mul3A_211, %get3A_4 : vector<16xf32>
            %add3A_217 = arith.addf %add3A_215, %mul3A_216 : vector<16xf32>
            %mul3A_218 = arith.mulf %add3A_217, %add3A_217 : vector<16xf32>
            %mul3A_219 = arith.mulf %mul3A_218, %mul3A_218 : vector<16xf32>
            %mul3A_220 = arith.mulf %mul3A_219, %mul3A_219 : vector<16xf32>
            %mul3A_221 = arith.mulf %mul3A_220, %mul3A_220 : vector<16xf32>
            %mul3A_222 = arith.mulf %mul3A_221, %mul3A_221 : vector<16xf32>
            %broadcast_in_dim3A_223 = vector.broadcast %add3A_151 : i32 to vector<16xi32>
            %gather3A_224 = tpu.vector_load_idx %arg9[%broadcast_in_dim3A_223] : memref<640xf32, #tpu.memory_space<vmem>>[vector<16xi32>], vector<16xf32>,
            %add3A_225 = arith.addf %gather3A_224, %gather3A_118 : vector<16xf32>
            %mul3A_226 = arith.constant 5.000000e-01 : f32
            %mul3A_227 = vector.broadcast %mul3A_226 : f32 to vector<16xf32>
            %mul3A_228 = arith.mulf %add3A_225, %mul3A_227 : vector<16xf32>
            %sub3A_229 = arith.subf %mul3A_228, %get3A_6 : vector<16xf32>
            %sub3A_230 = arith.subf %mul3A_228, %get3A_8 : vector<16xf32>
            %broadcast_in_dim3A_231 = vector.broadcast %add3A_151 : i32 to vector<16xi32>
            %gather3A_232 = tpu.vector_load_idx %arg14[%broadcast_in_dim3A_231] : memref<640xf32, #tpu.memory_space<vmem>>[vector<16xi32>], vector<16xf32>,
            %mul3A_233 = arith.mulf %gather3A_232, %mul3A_131 : vector<16xf32>
            %mul3A_234 = arith.mulf %mul3A_222, %mul3A_233 : vector<16xf32>
            %mul3A_235 = arith.constant -8.000000e+00 : f32
            %mul3A_236 = vector.broadcast %mul3A_235 : f32 to vector<16xf32>
            %mul3A_237 = arith.mulf %mul3A_236, %sub3A_229 : vector<16xf32>
            %mul3A_238 = arith.mulf %mul3A_237, %sub3A_229 : vector<16xf32>
            %exp3A = math.exp %mul3A_238 : vector<16xf32>
            %mul3A_239 = arith.mulf %mul3A_234, %exp3A : vector<16xf32>
            %mul3A_240 = arith.constant -8.000000e+00 : f32
            %mul3A_241 = vector.broadcast %mul3A_240 : f32 to vector<16xf32>
            %mul3A_242 = arith.mulf %mul3A_241, %sub3A_230 : vector<16xf32>
            %mul3A_243 = arith.mulf %mul3A_242, %sub3A_230 : vector<16xf32>
            %exp3A_244 = math.exp %mul3A_243 : vector<16xf32>
            %mul3A_245 = arith.mulf %mul3A_234, %exp3A_244 : vector<16xf32>
            %broadcast_in_dim3A_246 = vector.broadcast %squeeze3A_150 : i32 to vector<16xi32>
            %gather3A_247 = tpu.vector_load_idx %arg7[%broadcast_in_dim3A_246] : memref<32xi32, #tpu.memory_space<vmem>>[vector<16xi32>], vector<16xi32>,
            %slice3A_248 = vector.extract_strided_slice %gather3A_247 {offsets = [0], sizes = [1], strides = [1]} : vector<16xi32> to vector<1xi32>
            %squeeze3A_249 = vector.extract %slice3A_248[0] : i32 from vector<1xi32>
            %min3A_250 = arith.minsi %squeeze3A_249, %squeeze3A_135 : i32
            %max3A_251 = arith.maxsi %squeeze3A_249, %squeeze3A_135 : i32
            %mul3A_252 = arith.constant 4 : i32
            %mul3A_253 = arith.muli %min3A_250, %mul3A_252 : i32
            %add3A_254 = arith.constant 1 : i32
            %add3A_255 = arith.addi %min3A_250, %add3A_254 : i32
            %mul3A_256 = arith.muli %min3A_250, %add3A_255 : i32
            %jit3A_257 = arith.constant 2 : i32
            %div3A = arith.divsi %mul3A_256, %jit3A_257 : i32
            %sign3A = arith.constant 0 : i32
            %sign3A_258 = arith.cmpi sgt, %mul3A_256, %sign3A : i32
            %sign3A_259 = arith.extui %sign3A_258 : i1 to i32
            %sign3A_260 = arith.constant 0 : i32
            %sign3A_261 = arith.cmpi slt, %mul3A_256, %sign3A_260 : i32
            %sign3A_262 = arith.extui %sign3A_261 : i1 to i32
            %sign3A_263 = arith.subi %sign3A_259, %sign3A_262 : i32
            %sign3A_264 = arith.constant 0 : i32
            %sign3A_265 = arith.cmpi sgt, %jit3A_257, %sign3A_264 : i32
            %sign3A_266 = arith.extui %sign3A_265 : i1 to i32
            %sign3A_267 = arith.constant 0 : i32
            %sign3A_268 = arith.cmpi slt, %jit3A_257, %sign3A_267 : i32
            %sign3A_269 = arith.extui %sign3A_268 : i1 to i32
            %sign3A_270 = arith.subi %sign3A_266, %sign3A_269 : i32
            %ne3A = arith.cmpi ne, %sign3A_263, %sign3A_270 : i32
            %rem3A = arith.remsi %mul3A_256, %jit3A_257 : i32
            %ne3A_271 = arith.constant 0 : i32
            %ne3A_272 = arith.cmpi ne, %rem3A, %ne3A_271 : i32
            %and3A_273 = arith.andi %ne3A, %ne3A_272 : i1
            %sub3A_274 = arith.constant 1 : i32
            %sub3A_275 = arith.subi %div3A, %sub3A_274 : i32
            %select_n3A_276 = arith.select %and3A_273, %sub3A_275, %div3A : i32
            %sub3A_277 = arith.subi %mul3A_253, %select_n3A_276 : i32
            %add3A_278 = arith.addi %sub3A_277, %max3A_251 : i32
            %mul3A_279 = arith.constant 384 : i32
            %mul3A_280 = arith.muli %scan3A_50, %mul3A_279 : i32
            %add3A_281 = arith.constant 64 : i32
            %add3A_282 = arith.addi %mul3A_280, %add3A_281 : i32
            %mul3A_283 = arith.constant 32 : i32
            %mul3A_284 = arith.muli %add3A_278, %mul3A_283 : i32
            %add3A_285 = arith.addi %add3A_282, %mul3A_284 : i32
            %multiple_of3A = tpu.assume_multiple %add3A_285, 32 : i32
            %swap3A = arith.index_cast %multiple_of3A : i32 to index
            %swap3A_286 = tpu.vector_load %arg18[%swap3A] {strides = array<i32>} : memref<9216xf32, #tpu.memory_space<vmem>>, vector<16xf32>,
            tpu.vector_store %arg18[%swap3A], %mul3A_239 {add = true, strides = array<i32>} : memref<9216xf32, #tpu.memory_space<vmem>>, vector<16xf32>,
            %add3A_287 = arith.constant 16 : i32
            %add3A_288 = arith.addi %multiple_of3A, %add3A_287 : i32
            %swap3A_289 = arith.index_cast %add3A_288 : i32 to index
            %swap3A_290 = tpu.vector_load %arg18[%swap3A_289] {strides = array<i32>} : memref<9216xf32, #tpu.memory_space<vmem>>, vector<16xf32>,
            tpu.vector_store %arg18[%swap3A_289], %mul3A_245 {add = true, strides = array<i32>} : memref<9216xf32, #tpu.memory_space<vmem>>, vector<16xf32>,
          }
          %while3A_145 = arith.constant 1 : i32
          scf.for %while3A_146 = %while3A_143 to %while3A_139 step %while3A_145  : i32 {
            %broadcast_in_dim3A_147 = vector.broadcast %while3A_146 : i32 to vector<16xi32>
            %gather3A_148 = tpu.vector_load_idx %arg17[%broadcast_in_dim3A_147] : memref<32xi32, #tpu.memory_space<vmem>>[vector<16xi32>], vector<16xi32>,
            %slice3A_149 = vector.extract_strided_slice %gather3A_148 {offsets = [0], sizes = [1], strides = [1]} : vector<16xi32> to vector<1xi32>
            %squeeze3A_150 = vector.extract %slice3A_149[0] : i32 from vector<1xi32>
            %add3A_151 = arith.addi %mul3A_52, %squeeze3A_150 : i32
            %broadcast_in_dim3A_152 = vector.broadcast %add3A_151 : i32 to vector<16xi32>
            %gather3A_153 = tpu.vector_load_idx %arg11[%broadcast_in_dim3A_152] : memref<640xf32, #tpu.memory_space<vmem>>[vector<16xi32>], vector<16xf32>,
            %mul3A_154 = arith.mulf %gather3A_153, %gather3A_122 : vector<16xf32>
            %broadcast_in_dim3A_155 = vector.broadcast %add3A_151 : i32 to vector<16xi32>
            %gather3A_156 = tpu.vector_load_idx %arg12[%broadcast_in_dim3A_155] : memref<640xf32, #tpu.memory_space<vmem>>[vector<16xi32>], vector<16xf32>,
            %mul3A_157 = arith.mulf %gather3A_156, %gather3A_124 : vector<16xf32>
            %add3A_158 = arith.addf %mul3A_154, %mul3A_157 : vector<16xf32>
            %broadcast_in_dim3A_159 = vector.broadcast %add3A_151 : i32 to vector<16xi32>
            %gather3A_160 = tpu.vector_load_idx %arg13[%broadcast_in_dim3A_159] : memref<640xf32, #tpu.memory_space<vmem>>[vector<16xi32>], vector<16xf32>,
            %mul3A_161 = arith.mulf %gather3A_160, %gather3A_126 : vector<16xf32>
            %add3A_162 = arith.addf %add3A_158, %mul3A_161 : vector<16xf32>
            %broadcast_in_dim3A_163 = vector.broadcast %add3A_151 : i32 to vector<16xi32>
            %gather3A_164 = tpu.vector_load_idx %arg10[%broadcast_in_dim3A_163] : memref<640xf32, #tpu.memory_space<vmem>>[vector<16xi32>], vector<16xf32>,
            %mul3A_165 = arith.mulf %add3A_162, %gather3A_164 : vector<16xf32>
            %mul3A_166 = arith.mulf %mul3A_165, %gather3A_120 : vector<16xf32>
            %jit3A_167 = arith.constant -1.000000e+00 : f32
            %jit3A_168 = arith.constant 1.000000e+00 : f32
            %max3A = vector.broadcast %jit3A_167 : f32 to vector<16xf32>
            %max3A_169 = arith.maximumf %max3A, %mul3A_166 : vector<16xf32>
            %min3A = vector.broadcast %jit3A_168 : f32 to vector<16xf32>
            %min3A_170 = arith.minimumf %min3A, %max3A_169 : vector<16xf32>
            %mul3A_171 = arith.constant 0.949999988 : f32
            %mul3A_172 = vector.broadcast %mul3A_171 : f32 to vector<16xf32>
            %mul3A_173 = arith.mulf %mul3A_172, %min3A_170 : vector<16xf32>
            %mul3A_174 = arith.mulf %mul3A_173, %mul3A_173 : vector<16xf32>
            %sub3A_175 = arith.constant 1.000000e+00 : f32
            %sub3A_176 = vector.broadcast %sub3A_175 : f32 to vector<16xf32>
            %sub3A_177 = arith.subf %sub3A_176, %mul3A_174 : vector<16xf32>
            %bitcast3A = vector.bitcast %sub3A_177 : vector<16xf32> to vector<16xi32>
            %shift_right_arithmetic3A = arith.constant 1 : i32
            %shift_right_arithmetic3A_178 = vector.broadcast %shift_right_arithmetic3A : i32 to vector<16xi32>
            %shift_right_arithmetic3A_179 = arith.shrsi %bitcast3A, %shift_right_arithmetic3A_178 : vector<16xi32>
            %sub3A_180 = arith.constant 1597463007 : i32
            %sub3A_181 = vector.broadcast %sub3A_180 : i32 to vector<16xi32>
            %sub3A_182 = arith.subi %sub3A_181, %shift_right_arithmetic3A_179 : vector<16xi32>
            %bitcast3A_183 = vector.bitcast %sub3A_182 : vector<16xi32> to vector<16xf32>
            %mul3A_184 = arith.constant 5.000000e-01 : f32
            %mul3A_185 = vector.broadcast %mul3A_184 : f32 to vector<16xf32>
            %mul3A_186 = arith.mulf %mul3A_185, %sub3A_177 : vector<16xf32>
            %mul3A_187 = arith.mulf %mul3A_186, %bitcast3A_183 : vector<16xf32>
            %mul3A_188 = arith.mulf %mul3A_187, %bitcast3A_183 : vector<16xf32>
            %sub3A_189 = arith.constant 1.500000e+00 : f32
            %sub3A_190 = vector.broadcast %sub3A_189 : f32 to vector<16xf32>
            %sub3A_191 = arith.subf %sub3A_190, %mul3A_188 : vector<16xf32>
            %mul3A_192 = arith.mulf %bitcast3A_183, %sub3A_191 : vector<16xf32>
            %mul3A_193 = arith.constant 5.000000e-01 : f32
            %mul3A_194 = vector.broadcast %mul3A_193 : f32 to vector<16xf32>
            %mul3A_195 = arith.mulf %mul3A_194, %sub3A_177 : vector<16xf32>
            %mul3A_196 = arith.mulf %mul3A_195, %mul3A_192 : vector<16xf32>
            %mul3A_197 = arith.mulf %mul3A_196, %mul3A_192 : vector<16xf32>
            %sub3A_198 = arith.constant 1.500000e+00 : f32
            %sub3A_199 = vector.broadcast %sub3A_198 : f32 to vector<16xf32>
            %sub3A_200 = arith.subf %sub3A_199, %mul3A_197 : vector<16xf32>
            %mul3A_201 = arith.mulf %mul3A_192, %sub3A_200 : vector<16xf32>
            %mul3A_202 = arith.constant 5.000000e-01 : f32
            %mul3A_203 = vector.broadcast %mul3A_202 : f32 to vector<16xf32>
            %mul3A_204 = arith.mulf %mul3A_203, %sub3A_177 : vector<16xf32>
            %mul3A_205 = arith.mulf %mul3A_204, %mul3A_201 : vector<16xf32>
            %mul3A_206 = arith.mulf %mul3A_205, %mul3A_201 : vector<16xf32>
            %sub3A_207 = arith.constant 1.500000e+00 : f32
            %sub3A_208 = vector.broadcast %sub3A_207 : f32 to vector<16xf32>
            %sub3A_209 = arith.subf %sub3A_208, %mul3A_206 : vector<16xf32>
            %mul3A_210 = arith.mulf %mul3A_201, %sub3A_209 : vector<16xf32>
            %mul3A_211 = arith.mulf %sub3A_177, %mul3A_210 : vector<16xf32>
            %mul3A_212 = arith.mulf %mul3A_173, %get3A_2 : vector<16xf32>
            %add3A_213 = arith.constant 5.000000e-01 : f32
            %add3A_214 = vector.broadcast %add3A_213 : f32 to vector<16xf32>
            %add3A_215 = arith.addf %add3A_214, %mul3A_212 : vector<16xf32>
            %mul3A_216 = arith.mulf %mul3A_211, %get3A_4 : vector<16xf32>
            %add3A_217 = arith.addf %add3A_215, %mul3A_216 : vector<16xf32>
            %mul3A_218 = arith.mulf %add3A_217, %add3A_217 : vector<16xf32>
            %mul3A_219 = arith.mulf %mul3A_218, %mul3A_218 : vector<16xf32>
            %mul3A_220 = arith.mulf %mul3A_219, %mul3A_219 : vector<16xf32>
            %mul3A_221 = arith.mulf %mul3A_220, %mul3A_220 : vector<16xf32>
            %mul3A_222 = arith.mulf %mul3A_221, %mul3A_221 : vector<16xf32>
            %broadcast_in_dim3A_223 = vector.broadcast %add3A_151 : i32 to vector<16xi32>
            %gather3A_224 = tpu.vector_load_idx %arg9[%broadcast_in_dim3A_223] : memref<640xf32, #tpu.memory_space<vmem>>[vector<16xi32>], vector<16xf32>,
            %add3A_225 = arith.addf %gather3A_224, %gather3A_118 : vector<16xf32>
            %mul3A_226 = arith.constant 5.000000e-01 : f32
            %mul3A_227 = vector.broadcast %mul3A_226 : f32 to vector<16xf32>
            %mul3A_228 = arith.mulf %add3A_225, %mul3A_227 : vector<16xf32>
            %sub3A_229 = arith.subf %mul3A_228, %get3A_6 : vector<16xf32>
            %sub3A_230 = arith.subf %mul3A_228, %get3A_8 : vector<16xf32>
            %broadcast_in_dim3A_231 = vector.broadcast %add3A_151 : i32 to vector<16xi32>
            %gather3A_232 = tpu.vector_load_idx %arg14[%broadcast_in_dim3A_231] : memref<640xf32, #tpu.memory_space<vmem>>[vector<16xi32>], vector<16xf32>,
            %mul3A_233 = arith.mulf %gather3A_232, %mul3A_131 : vector<16xf32>
            %mul3A_234 = arith.mulf %mul3A_222, %mul3A_233 : vector<16xf32>
            %mul3A_235 = arith.constant -8.000000e+00 : f32
            %mul3A_236 = vector.broadcast %mul3A_235 : f32 to vector<16xf32>
            %mul3A_237 = arith.mulf %mul3A_236, %sub3A_229 : vector<16xf32>
            %mul3A_238 = arith.mulf %mul3A_237, %sub3A_229 : vector<16xf32>
            %exp3A = math.exp %mul3A_238 : vector<16xf32>
            %mul3A_239 = arith.mulf %mul3A_234, %exp3A : vector<16xf32>
            %mul3A_240 = arith.constant -8.000000e+00 : f32
            %mul3A_241 = vector.broadcast %mul3A_240 : f32 to vector<16xf32>
            %mul3A_242 = arith.mulf %mul3A_241, %sub3A_230 : vector<16xf32>
            %mul3A_243 = arith.mulf %mul3A_242, %sub3A_230 : vector<16xf32>
            %exp3A_244 = math.exp %mul3A_243 : vector<16xf32>
            %mul3A_245 = arith.mulf %mul3A_234, %exp3A_244 : vector<16xf32>
            %broadcast_in_dim3A_246 = vector.broadcast %squeeze3A_150 : i32 to vector<16xi32>
            %gather3A_247 = tpu.vector_load_idx %arg7[%broadcast_in_dim3A_246] : memref<32xi32, #tpu.memory_space<vmem>>[vector<16xi32>], vector<16xi32>,
            %slice3A_248 = vector.extract_strided_slice %gather3A_247 {offsets = [0], sizes = [1], strides = [1]} : vector<16xi32> to vector<1xi32>
            %squeeze3A_249 = vector.extract %slice3A_248[0] : i32 from vector<1xi32>
            %min3A_250 = arith.minsi %squeeze3A_249, %squeeze3A_135 : i32
            %max3A_251 = arith.maxsi %squeeze3A_249, %squeeze3A_135 : i32
            %mul3A_252 = arith.constant 4 : i32
            %mul3A_253 = arith.muli %min3A_250, %mul3A_252 : i32
            %add3A_254 = arith.constant 1 : i32
            %add3A_255 = arith.addi %min3A_250, %add3A_254 : i32
            %mul3A_256 = arith.muli %min3A_250, %add3A_255 : i32
            %jit3A_257 = arith.constant 2 : i32
            %div3A = arith.divsi %mul3A_256, %jit3A_257 : i32
            %sign3A = arith.constant 0 : i32
            %sign3A_258 = arith.cmpi sgt, %mul3A_256, %sign3A : i32
            %sign3A_259 = arith.extui %sign3A_258 : i1 to i32
            %sign3A_260 = arith.constant 0 : i32
            %sign3A_261 = arith.cmpi slt, %mul3A_256, %sign3A_260 : i32
            %sign3A_262 = arith.extui %sign3A_261 : i1 to i32
            %sign3A_263 = arith.subi %sign3A_259, %sign3A_262 : i32
            %sign3A_264 = arith.constant 0 : i32
            %sign3A_265 = arith.cmpi sgt, %jit3A_257, %sign3A_264 : i32
            %sign3A_266 = arith.extui %sign3A_265 : i1 to i32
            %sign3A_267 = arith.constant 0 : i32
            %sign3A_268 = arith.cmpi slt, %jit3A_257, %sign3A_267 : i32
            %sign3A_269 = arith.extui %sign3A_268 : i1 to i32
            %sign3A_270 = arith.subi %sign3A_266, %sign3A_269 : i32
            %ne3A = arith.cmpi ne, %sign3A_263, %sign3A_270 : i32
            %rem3A = arith.remsi %mul3A_256, %jit3A_257 : i32
            %ne3A_271 = arith.constant 0 : i32
            %ne3A_272 = arith.cmpi ne, %rem3A, %ne3A_271 : i32
            %and3A_273 = arith.andi %ne3A, %ne3A_272 : i1
            %sub3A_274 = arith.constant 1 : i32
            %sub3A_275 = arith.subi %div3A, %sub3A_274 : i32
            %select_n3A_276 = arith.select %and3A_273, %sub3A_275, %div3A : i32
            %sub3A_277 = arith.subi %mul3A_253, %select_n3A_276 : i32
            %add3A_278 = arith.addi %sub3A_277, %max3A_251 : i32
            %mul3A_279 = arith.constant 384 : i32
            %mul3A_280 = arith.muli %scan3A_50, %mul3A_279 : i32
            %add3A_281 = arith.constant 64 : i32
            %add3A_282 = arith.addi %mul3A_280, %add3A_281 : i32
            %mul3A_283 = arith.constant 32 : i32
            %mul3A_284 = arith.muli %add3A_278, %mul3A_283 : i32
            %add3A_285 = arith.addi %add3A_282, %mul3A_284 : i32
            %multiple_of3A = tpu.assume_multiple %add3A_285, 32 : i32
            %swap3A = arith.index_cast %multiple_of3A : i32 to index
            %swap3A_286 = tpu.vector_load %arg18[%swap3A] {strides = array<i32>} : memref<9216xf32, #tpu.memory_space<vmem>>, vector<16xf32>,
            tpu.vector_store %arg18[%swap3A], %mul3A_239 {add = true, strides = array<i32>} : memref<9216xf32, #tpu.memory_space<vmem>>, vector<16xf32>,
            %add3A_287 = arith.constant 16 : i32
            %add3A_288 = arith.addi %multiple_of3A, %add3A_287 : i32
            %swap3A_289 = arith.index_cast %add3A_288 : i32 to index
            %swap3A_290 = tpu.vector_load %arg18[%swap3A_289] {strides = array<i32>} : memref<9216xf32, #tpu.memory_space<vmem>>, vector<16xf32>,
            tpu.vector_store %arg18[%swap3A_289], %mul3A_245 {add = true, strides = array<i32>} : memref<9216xf32, #tpu.memory_space<vmem>>, vector<16xf32>,
          }
        }
      }
      %scan3A_49 = arith.constant 24 : i32
      "tpu.region"() ({
        %run_scoped3A = tpu.sem_alloc : memref<!tpu.dma_semaphore, #tpu.memory_space<semaphore_mem>>
        %dma_start3A = arith.constant 0 : i32
        %dma_start3A_50 = tpu.memref_slice %arg5[%add3A_19, %dma_start3A] : memref<128x9216xf32, #tpu.memory_space<hbm>> -> memref<1x9216xf32, #tpu.memory_space<hbm>>
        %dma_start3A_51 = tpu.memref_squeeze %dma_start3A_50 : memref<1x9216xf32, #tpu.memory_space<hbm>> -> memref<9216xf32, #tpu.memory_space<hbm>>
        %dma_start3A_52 = arith.constant 0 : i32
        %dma_start3A_53 = tpu.memref_slice %arg5[%add3A_19, %dma_start3A_52] : memref<128x9216xf32, #tpu.memory_space<hbm>> -> memref<1x9216xf32, #tpu.memory_space<hbm>>
        %dma_start3A_54 = tpu.memref_squeeze %dma_start3A_53 : memref<1x9216xf32, #tpu.memory_space<hbm>> -> memref<9216xf32, #tpu.memory_space<hbm>>
        tpu.enqueue_dma source(%arg18 : memref<9216xf32, #tpu.memory_space<vmem>>) target(%dma_start3A_54 : memref<9216xf32, #tpu.memory_space<hbm>>) target_semaphore(%run_scoped3A : memref<!tpu.dma_semaphore, #tpu.memory_space<semaphore_mem>>)
        %dma_wait3A = arith.constant 0 : i32
        %dma_wait3A_55 = tpu.memref_slice %arg5[%add3A_19, %dma_wait3A] : memref<128x9216xf32, #tpu.memory_space<hbm>> -> memref<1x9216xf32, #tpu.memory_space<hbm>>
        %dma_wait3A_56 = tpu.memref_squeeze %dma_wait3A_55 : memref<1x9216xf32, #tpu.memory_space<hbm>> -> memref<9216xf32, #tpu.memory_space<hbm>>
        %dma_wait3A_57 = arith.constant 0 : i32
        %dma_wait3A_58 = tpu.memref_slice %arg5[%add3A_19, %dma_wait3A_57] : memref<128x9216xf32, #tpu.memory_space<hbm>> -> memref<1x9216xf32, #tpu.memory_space<hbm>>
        %dma_wait3A_59 = tpu.memref_squeeze %dma_wait3A_58 : memref<1x9216xf32, #tpu.memory_space<hbm>> -> memref<9216xf32, #tpu.memory_space<hbm>>
        tpu.wait_dma2 semaphore(%run_scoped3A : memref<!tpu.dma_semaphore, #tpu.memory_space<semaphore_mem>>) src(%arg18 : memref<9216xf32, #tpu.memory_space<vmem>>) dst(%dma_wait3A_59 : memref<9216xf32, #tpu.memory_space<hbm>>)
        tpu.yield
      }) : () -> ()
    }
    %scan3A_15 = arith.constant 4 : i32
    return
  }
}

</mosaic_0001>

<sc_bundles>
// kernel: kernel.3.cloned.1.call-start
scs
__scs_entry_jumppad:
0x0: {  	(pc) =	sbr.rel $0x88, $3  }
0x1: {  	(tag) =	ssettag $0x0;
	lr =	simm.s32 $0x1  }
0x2: {  	[smem:$0x3F9F] =	sst lr;
	_ =	strace $0xD0000000  }
0x3: {  	_ = 	snop  }
0x4: {  	_ = 	snop  }
0x5: {  	_ = 	snop  }
0x6: {  	_ = 	snop  }
0x7: {  	_ = 	snop  }
__scs_overlays_trampoline_lowered:
0x8: {  	[smem:$0x3FAE] =	sst s0  }
0x9: {  	[smem:$0x3FAF] =	sst s1  }
0xa: {  	[smem:$0x3FB0] =	sst s2  }
0xb: {  	[smem:$0x3FB1] =	sst s3  }
0xc: {  	[smem:$0x3FB2] =	sst s4  }
0xd: {  	[smem:$0x3FB3] =	sst s5  }
0xe: {  	[smem:$0x3FB4] =	sst s6  }
0xf: {  	[smem:$0x3FB5] =	sst s7  }
0x10: {  	[smem:$0x3FB6] =	sst s8  }
0x11: {  	[smem:$0x3FB7] =	sst s9;
	s0 =	simm.s32 @!p0 $0x0  }
0x12: {  	s1 =	sld [smem:$0x3F9D];
	s0 =	simm.s32 @p0 $0x1  }
0x13: {  	[smem:$0x3FB8] =	sst s0;
	s0 =	simm.s32 @!p1 $0x0  }
0x14: {  	s2 =	sld [smem:$0x3F9C];
	s0 =	simm.s32 @p1 $0x1  }
0x15: {  	[smem:$0x3FB9] =	sst s0;
	s0 =	simm.s32 @!p2 $0x0  }
0x16: {  	s3 =	sld [smem:$0x3FDB];
	s0 =	simm.s32 @p2 $0x1  }
0x17: {  	s4 =	simm.s32 $0x1BF5;
	[smem:$0x3FBB] =	sst s0  }
0x18: {  	s0 =	sld [smem:$0x3F9E];
	_ =	swait.ge [sflag:s4], $0x0  }
0x19: {  	s7 =	sld [smem:$0x3F9F]  }
0x1a: {  	s8 =	sadd.s32 $0xFFFFE003, lr  }
0x1b: {  	s9 =	sadd.s32 $0xFFFFFEF7, lr;
	s5 =	simm.s32 $0xFFFFFFFF;
	p2 =	slt.u32 s8, $0xFFFFF086  }
0x1c: {  	p1 =	slt.u32 s9, $0xF7A;
	s5 =	simm.s32 @!p2 $0x0  }
0x1d: {  	s5 =	simm.s32 @p1 $0x1;
	p0 =	seq.s32 s7, s2  }
0x1e: {  	s7 =	smul.u32 @!p0 $0xF7A, s2;
	p2 =	seq.s32 @!p0 s5, $0x0  }
0x1f: {  	s9 =	smul.u32 $0xF7A, s1;
	s8 =	simm.s32 @!p0 $0x1BF5;
	p2 =	por !p2, p0  }
0x20: {  	[sflag:s8] =	ssyncset.s32 @!p0 $0xFFFFF086;
	s6 =	sadd.s32 @!p0 s3, s7;
	s7 =	simm.s32 @!p0 $0x108  }
0x21: {  	s3 =	sadd.s32 s3, s9;
	s6 =	sadd.s32 @!p0 $0x88, s6;
	s7 =	simm.s32 @p2 $0x1082  }
0x22: {  	[simem:s7], [sflag:s8] =	dma.local @!p0 [hbm:s6], $0xF7A  }
0x23: {  	s9 =	sor.u32 $0xD0000000, s2;
	s6 =	simm.s32 $0x108;
	_ =	swait.ge @!p0 [sflag:s8], $0x0  }
0x24: {  	s3 =	sadd.s32 $0x88, s3;
	s6 =	simm.s32 @!p1 $0x1082;
	[sflag:s4] =	ssyncset.s32 $0xFFFFF086  }
0x25: {  	[simem:s6], [sflag:s4] =	dma.local [hbm:s3], $0xF7A  }
0x26: {  	[smem:$0x3F9F] =	sst s1;
	(tag) =	ssettag s2;
	_ =	strace s9  }
0x27: {  	s1 =	sld [smem:$0x3FAF]  }
0x28: {  	s2 =	sld [smem:$0x3FB0]  }
0x29: {  	s4 =	sld [smem:$0x3FB2]  }
0x2a: {  	p0 =	seq.s32 s5, $0x0;
	s5 =	sld [smem:$0x3FB3]  }
0x2b: {  	s6 =	sld [smem:$0x3FB4]  }
0x2c: {  	s7 =	sld [smem:$0x3FB5]  }
0x2d: {  	s3 =	simm.s32 $0x108;
	s8 =	sld [smem:$0x3FB6]  }
0x2e: {  	s3 =	simm.s32 @!p0 $0x1082;
	s9 =	sld [smem:$0x3FB7]  }
0x2f: {  	lr =	sadd.s32 s0, s3;
	s0 =	sld [smem:$0x3FAE]  }
0x30: {  	s3 =	sld [smem:$0x3FB1]  }
0x31: {  	[smem:$0x3FBA] =	sst s10  }
0x32: {  	s10 =	sld [smem:$0x3FB8];
	_ =	sdelay $0x3  }
0x33: {  	p0 =	seq.s32 s10, $0x1;
	s10 =	sld [smem:$0x3FBA];
	_ =	sdelay $0x3  }
0x34: {  	[smem:$0x3FBA] =	sst s10  }
0x35: {  	s10 =	sld [smem:$0x3FB9];
	_ =	sdelay $0x3  }
0x36: {  	p1 =	seq.s32 s10, $0x1;
	s10 =	sld [smem:$0x3FBA];
	_ =	sdelay $0x3  }
0x37: {  	[smem:$0x3FBA] =	sst s10  }
0x38: {  	s10 =	sld [smem:$0x3FBB]  }
0x39: {  	_ = 	snop;
	(pc) =	sbr.ind lr, $3  }
0x3a: {  	_ = 	snop  }
0x3b: {  	_ = 	snop  }
0x3c: {  	p2 =	seq.s32 s10, $0x1;
	s10 =	sld [smem:$0x3FBA]  }
0x3d: {  	_ =	shalt  }
0x3e: {  	_ =	shalt  }
0x3f: {  	_ =	shalt  }
0x40: {  	_ =	shalt  }
0x41: {  	_ =	shalt  }
0x42: {  	_ =	shalt  }
0x43: {  	_ =	shalt  }
0x44: {  	_ =	shalt  }
0x45: {  	_ =	shalt  }
0x46: {  	_ =	shalt  }
0x47: {  	_ =	shalt  }
0x48: {  	_ =	shalt  }
0x49: {  	_ =	shalt  }
0x4a: {  	_ =	shalt  }
0x4b: {  	_ =	shalt  }
0x4c: {  	_ =	shalt  }
0x4d: {  	_ =	shalt  }
0x4e: {  	_ =	shalt  }
0x4f: {  	_ =	shalt  }
0x50: {  	_ =	shalt  }
0x51: {  	_ =	shalt  }
0x52: {  	_ =	shalt  }
0x53: {  	_ =	shalt  }
0x54: {  	_ =	shalt  }
0x55: {  	_ =	shalt  }
0x56: {  	_ =	shalt  }
0x57: {  	_ =	shalt  }
0x58: {  	_ =	shalt  }
0x59: {  	_ =	shalt  }
0x5a: {  	_ =	shalt  }
0x5b: {  	_ =	shalt  }
0x5c: {  	_ =	shalt  }
0x5d: {  	_ =	shalt  }
0x5e: {  	_ =	shalt  }
0x5f: {  	_ =	shalt  }
0x60: {  	_ =	shalt  }
0x61: {  	_ =	shalt  }
0x62: {  	_ =	shalt  }
0x63: {  	_ =	shalt  }
0x64: {  	_ =	shalt  }
0x65: {  	_ =	shalt  }
0x66: {  	_ =	shalt  }
0x67: {  	_ =	shalt  }
0x68: {  	_ =	shalt  }
0x69: {  	_ =	shalt  }
0x6a: {  	_ =	shalt  }
0x6b: {  	_ =	shalt  }
0x6c: {  	_ =	shalt  }
0x6d: {  	_ =	shalt  }
0x6e: {  	_ =	shalt  }
0x6f: {  	_ =	shalt  }
0x70: {  	_ =	shalt  }
0x71: {  	_ =	shalt  }
0x72: {  	_ =	shalt  }
0x73: {  	_ =	shalt  }
0x74: {  	_ =	shalt  }
0x75: {  	_ =	shalt  }
0x76: {  	_ =	shalt  }
0x77: {  	_ =	shalt  }
0x78: {  	_ =	shalt  }
0x79: {  	_ =	shalt  }
0x7a: {  	_ =	shalt  }
0x7b: {  	_ =	shalt  }
0x7c: {  	_ =	shalt  }
0x7d: {  	_ =	shalt  }
0x7e: {  	_ =	shalt  }
0x7f: {  	_ =	shalt  }
0x80: {  	_ =	shalt  }
0x81: {  	_ =	shalt  }
0x82: {  	_ =	shalt  }
0x83: {  	_ =	shalt  }
0x84: {  	_ =	shalt  }
0x85: {  	_ =	shalt  }
0x86: {  	_ =	shalt  }
0x87: {  	_ =	shalt  }
.Lfunc_end0:
.L_simem_size_0:
called_computation_lowered:
.L_overlay_start_0:
0x88: {  	s2 =	sld [smem:$0x3FD9]  }
0x89: {  	s3 =	sld [smem:$0x3FFE];
	_ =	sdelay $0x1  }
0x8a: {  	s1 =	srdreg.scid  }
0x8b: {  	s0 =	sand.u32 $0x1, s1  }
0x8c: {  	s14 =	sshll.u32 s0, $0xA;
	s2 =	sadd.s32 s3, s2  }
0x8d: {  	s2 =	sadd.s32 s2, s14  }
0x8e: {  	[smem:$0x3FC6] =	sst s2  }
0x8f: {  	_ = 	snop  }
0x90: {  	s2 =	sld [smem:$0x3FD0];
	_ =	sdelay $0x2  }
0x91: {  	s15 =	simm.s32 $0xA;
	s4 =	simm.s32 $0x10  }
0x92: {  	[smem:s4], [sflag:s15] =	dma.local [hbm:s2], $0x1  }
0x93: {  	_ =	swait.eq [sflag:s15], $0x1  }
0x94: {  	[sflag:s15] =	ssyncset.done $0x0  }
0x95: {  	s16 =	sld [smem:$0x10];
	[sflag:s15] =	ssyncadd.s32 $0xFFFFFFFF  }
0x96: {  	s17 =	sld [smem:$0x11];
	(tm) =	ssettm $0x1  }
0x97: {  	s18 =	sld [smem:$0x3FFB];
	_ =	sdelay $0x3  }
0x98: {  	_ =	strace s18  }
0x99: {  	s4 =	sld [smem:$0x3FFC];
	_ =	sdelay $0x3  }
0x9a: {  	_ =	strace s4  }
0x9b: {  	s4 =	sld [smem:$0x3FFD];
	_ =	sdelay $0x3  }
0x9c: {  	_ =	strace s4  }
0x9d: {  	_ =	strace $0x8FFFFFFF  }
0x9e: {  	s19 =	sld [smem:$0x3FDB];
	_ =	sdelay $0x1  }
0x9f: {  	s5 =	simm.s32 $_scs_section_size  }
0xa0: {  	s6 =	simm.s32 $_size__tile_overlayer_lowered;
	s7 =	simm.s32 $_tile_overlayer_lowered  }
0xa1: {  	s22 =	simm.s32 $0x1BFF;
	s21 =	sshll.u32 s7, $0x1;
	s4 =	sadd.s32 s5, s19  }
0xa2: {  	s8 =	simm.s32 $0x0;
	s20 =	sshll.u32 s6, $0x1;
	s6 =	sadd.s32 s21, s4  }
0xa3: {  	[timem:s8], [sflag:s22] =	dma.local [hbm:s6], s20  }
0xa4: {  	_ =	swait.ge [sflag:s22], s20  }
0xa5: {  	s5 =	ssub.s32 $0x0, s20;
	[sflag:s22] =	ssyncset.done $0x0  }
0xa6: {  	[sflag:s22] =	ssyncadd.s32 s5;
	_ =	sdelay $0x1  }
0xa7: {  	s23 =	simm.s32 $0x1B8B  }
0xa8: {  	_ =	swait.ge [sflag:s23], $0x1  }
0xa9: {  	[sflag:s23] =	ssyncset.done $0x0  }
0xaa: {  	s25 =	simm.s32 $0x1B8E;
	s24 =	sld [smem:$0x3FFE];
	[sflag:s23] =	ssyncadd.s32 $0xFFFFFFFF  }
0xab: {  	s26 =	simm.s32 $execute0_lowered;
	[smem:$0x3FD2] =	sst s25  }
0xac: {  	s6 =	sshll.u32 s26, $0x1;
	_ =	strace $0x80000046;
	[dreg:$0x1] =	wrdreg $0xFFFFFFFF  }
0xad: {  	s28 =	simm.s32 $_size_execute0_lowered;
	s4 =	sadd.s32 s4, s6;
	[dreg:$0x0] =	wrdreg $0x0  }
0xae: {  	s6 =	sshll.u32 s28, $0x1;
	[dreg:$0x2] =	wrdreg s4  }
0xaf: {  	[dreg:$0x3] =	wrdreg s6  }
0xb0: {  	[dreg:$0x4] =	wrdreg $0xC0  }
0xb1: {  	_ =	task [dreg:s8], $0x5FFFF  }
0xb2: {  	[dreg:$0x1] =	wrdreg $0xFFFFFFFF  }
0xb3: {  	[dreg:$0x0] =	wrdreg $0x60  }
0xb4: {  	[dreg:$0x2] =	wrdreg s17  }
0xb5: {  	[dreg:$0x3] =	wrdreg s24  }
0xb6: {  	[dreg:$0x4] =	wrdreg s16  }
0xb7: {  	[dreg:$0x5] =	wrdreg $0x9  }
0xb8: {  	_ =	task.clear_ibuf [dreg:s8], $0x6FFFF;
	_ =	strace $0x90000046  }
0xb9: {  	s29 =	simm.s32 $0x9;
	_ =	strace $0x80000048  }
0xba: {  	_ =	swait.ge [sflag:s29], $0x1  }
0xbb: {  	[sflag:s29] =	ssyncadd.s32 $0xFFFFFFFF  }
0xbc: {  	_ =	strace $0x90000048  }
0xbd: {  	_ =	sfence  }
0xbe: {  	s30 =	sld [smem:$0x0];
	_ =	sdelay $0x2  }
0xbf: {  	s31 =	sshll.u32 s1, $0xD;
	s1 =	sshrl.u32 s1, $0x2  }
0xc0: {  	s3 =	sand.u32 $0x4000, s31;
	s1 =	sadd.s32 s1, s30  }
0xc1: {  	s0 =	sor.u32 s3, s0;
	s1 =	sshll.u32 s1, $0x11  }
0xc2: {  	s0 =	sor.u32 s1, s0  }
0xc3: {  	s0 =	sadd.s32 $0x8F2B, s0  }
0xc4: {  	[sflag:s0] =	ssyncadd.remote.s32 $0x1  }
0xc5: {  	_ =	sfence.sel $0xFFFF  }
0xc6: {  	[dreg:$0x0] =	wrdreg $0xFFFFFFFF;
	(pc) =	sbr.abs _section_cstart, $3  }
0xc7: {  	[dreg:$0x1] =	wrdreg $0xFFFFFFFF  }
0xc8: {  	_ =	task.clear_ibuf [dreg:s8], $0x2FFFF;
	_ =	strace $0x9FFFFFFF  }
0xc9: {  	(tm) =	ssettm $0x7FFFFFFF  }
tec
execute0_lowered:
.L_overlay_start_1:
0x0: {  	(tag) =	ssettag $0x1  }
0x1: {  	s1 =	rddreg [dreg:$0x0]  }
0x2: {  	s0 =	rddreg [dreg:$0x1];
	s3 =	simm.s32 $0x0;
	s2 =	srdreg.scid  }
0x3: {  	s30 =	stileid.u32;
	s12 =	simm.s32 $0x1;
	s13 =	simm.s32 $0x80  }
0x4: {  	s14 =	simm.s32 $0x1300;
	s15 =	simm.s32 $0xE00;
	s16 =	simm.s32 $0x1580  }
0x5: {  	s17 =	simm.s32 $0x180;
	s18 =	simm.s32 $0x400;
	s19 =	simm.s32 $0x680  }
0x6: {  	s20 =	simm.s32 $0x900;
	s21 =	simm.s32 $0xB80;
	s2 =	sand.u32 $0x1, s2  }
.Ltmp0:
0x7: {  	s22 =	simm.s32 $0x1600;
	s4 =	ssub.s32 $0x2, s2;
	(pc) =	sbr.rel .LBB2_1-.Ltmp0, $4  }
0x8: {  	[smem:$0x7FF] =	sst s3;
	s5 =	sadd.s32 $0x800, s0;
	s31 =	sshrl.u32 s4, $0x1  }
0x9: {  	s6 =	sadd.s32 $0x1000, s0;
	s8 =	sshll.u32 s30, $0xA;
	s0 =	ssub.s32 s4, s31  }
0xa: {  	v0 =	vimm.f32 $0.0e+00;
	v1 =	vlaneseq.u32;
	s9 =	smul.u32 $0x12000, s30;
	_ =	strace $0x80000047;
	s0 =	smax.u32 s0, $0x1  }
0xb: {  	v2 =	vimm.s32 $0x0;
	vm0 =	vmmov $0xff;
	v3 =	vor.u32 $0x10, v1;
	s7 =	sshll.u32 s2, $0x9;
	s2 =	simm.s32 $0x0;
	[dreg:$0x4] =	wrdreg s0  }
.LBB2_16:
0xc: {  	s2 =	rddreg [dreg:$0x5]  }
0xd: {  	s0 =	rddreg [dreg:$0x4];
	s2 =	sadd.s32 $0x1, s2  }
0xe: {  	p0 =	sne.s32 s2, s0  }
.Ltmp1:
0xf: {  	_ = 	snop;
	(pc) =	sbr.rel @!p0 .LBB2_17-.Ltmp1, $1  }
0x10: {  	_ =	sdelay $0x3  }
.LBB2_1:
0x11: {  	[dreg:$0x5] =	wrdreg s2  }
0x12: {  	s0 =	rddreg [dreg:$0x2];
	s31 =	simm.s32 $0x0;
	s3 =	simm.s32 $0x100  }
0x13: {  	[tilespmem:s3], [sflag:$0x1] =	stream.linear.gather [hbm4b:s0+s31], $0x80, $0x38;
	[tilespmem:$0x3A00] =	vst v63  }
0x14: {  	_ =	swait.ge [sflag:s12], $0x80  }
0x15: {  	[sflag:s12] =	ssyncset.done $0x0  }
0x16: {  	[sflag:s12] =	ssyncadd.s32 $0xFFFFFF80  }
.Ltmp2:
0x17: {  	v4 =	vld [tilespmem:$0x100];
	(pc) =	sbr.rel .LBB2_2-.Ltmp2, $4  }
0x18: {  	v5 =	vld [tilespmem:$0x110]  }
0x19: {  	v6 =	vld [tilespmem:$0x120]  }
0x1a: {  	v7 =	vld [tilespmem:$0x130]  }
0x1b: {  	s24 =	simm.s32 $0x0;
	v8 =	vld [tilespmem:$0x140]  }
.LBB2_15:
0x1c: {  	s0 =	sadd.s32 s9, s25;
	s24 =	sadd.s32 $0x1, s24  }
0x1d: {  	s0 =	sshrl.u32 s0, $0x3;
	p0 =	sne.s32 s24, $0x4  }
.Ltmp3:
0x1e: {  	s0 =	sadd.s32 s6, s0;
	(pc) =	sbr.rel @!p0 .LBB2_16-.Ltmp3, $4  }
0x1f: {  	[hbm4b:s0+s13] =	stream.strided.scatter [tilespmem:s22], [sflag:$0x1], $0x2400, s18, s13, $0x38;
	[tilespmem:$0x3A00] =	vst v63  }
0x20: {  	_ =	swait.ge [sflag:s12], $0x2400  }
0x21: {  	[sflag:s12] =	ssyncset.done $0x0  }
0x22: {  	[sflag:s12] =	ssyncadd.s32 $0xFFFFDC00  }
.LBB2_2:
0x23: {  	s0 =	sshll.u32 s24, $0x7  }
0x24: {  	s25 =	sadd.s32 s7, s0  }
0x25: {  	s0 =	sadd.s32 s8, s25  }
0x26: {  	s0 =	sshrl.u32 s0, $0x3  }
0x27: {  	s4 =	simm.s32 $0x0;
	s2 =	sadd.s32 s1, s0  }
0x28: {  	[tilespmem:s4], [sflag:$0x1] =	stream.linear.gather [hbm4b:s2+s4], $0x80, $0x38;
	[tilespmem:$0x3A00] =	vst v63  }
0x29: {  	_ =	swait.ge [sflag:s12], $0x80  }
0x2a: {  	[sflag:s12] =	ssyncset.done $0x0  }
0x2b: {  	s0 =	sadd.s32 s5, s0;
	[sflag:s12] =	ssyncadd.s32 $0xFFFFFF80  }
0x2c: {  	[tilespmem:s13], [sflag:$0x1] =	stream.linear.gather [hbm4b:s0+s4], $0x80, $0x38;
	[tilespmem:$0x3A00] =	vst v63  }
0x2d: {  	_ =	swait.ge [sflag:s12], $0x80  }
0x2e: {  	[sflag:s12] =	ssyncset.done $0x0  }
0x2f: {  	s4 =	simm.s32 $0x40;
	s0 =	simm.s32 $0x0;
	[sflag:s12] =	ssyncadd.s32 $0xFFFFFF80  }
.LBB2_3:
0x30: {  	p0 =	sne.s32 s4, $0x8FC0;
	[tilespmem:s0+$0x1600] =	vst v0;
	s0 =	smov.u32 s4;
	s4 =	sadd.s32 $0x40, s4  }
.Ltmp4:
0x31: {  	(pc) =	sbr.rel @p0 .LBB2_3-.Ltmp4, $2  }
0x32: {  	_ =	sdelay $0x2  }
0x33: {  	s0 =	sshra.s32 s0, $0x2  }
0x34: {  	s26 =	simm.s32 $0x0  }
0x35: {  	v9 =	vor.u32 s26, v1  }
0x36: {  	v10 =	vmulhi.u32 $0xAAAAAAAB, v9;
	_ =	sdelay $0x1  }
0x37: {  	v10 =	vshrl.u32 v10, $0x4  }
0x38: {  	v11 =	vmul.u32 $0xFFFFFFE8, v10  }
0x39: {  	v12 =	vmov s26;
	v13 =	vsub.s32 $0x0, v9  }
0x3a: {  	vm1 =	veq.s32 v12, v1;
	vm2 =	vne.s32 v11, v13  }
0x3b: {  	vm1 =	vmand vm1, vm2  }
0x3c: {  	v11 =	vsel vm1, $0xFFFFFFFF, v2  }
0x3d: {  	v10 =	vadd.s32 v11, v10  }
0x3e: {  	[tilespmem:s0+$0x1600] =	vst v0;
	v11 =	vmul.u32 $0xFFFFFFE8, v10  }
0x3f: {  	[tilespmem:$0x1040] =	vst v0;
	v12 =	vadd.s32 $0x18, v10  }
0x40: {  	[tilespmem:$0x1050] =	vst v0;
	v9 =	vadd.s32 v9, v11  }
0x41: {  	[tilespmem:$0x1060] =	vst v0;
	v11 =	vadd.s32 $0x18, v9  }
0x42: {  	[tilespmem:$0x1070] =	vst v0;
	v13 =	vadd.s32 $0x30, v10  }
0x43: {  	v14 =	vadd.s32 $0x30, v9;
	v15 =	vld.idx.msk [tilespmem:v10+s26+$0x0], $0xffff  }
0x44: {  	v12 =	vld.idx.msk [tilespmem:v12+s26+$0x0], $0xffff  }
0x45: {  	v16 =	vld.idx.msk [tilespmem:v9+s26+$0x0], $0xffff  }
0x46: {  	v11 =	vld.idx.msk [tilespmem:v11+s26+$0x0], $0xffff  }
0x47: {  	v13 =	vld.idx.msk [tilespmem:v13+s26+$0x0], $0xffff  }
0x48: {  	v14 =	vld.idx.msk [tilespmem:v14+s26+$0x0], $0xffff;
	_ =	sdelay $0x2  }
0x49: {  	v15 =	vsub.f32 v15, v16;
	v11 =	vsub.f32 v12, v11;
	_ =	sdelay $0x1  }
0x4a: {  	v12 =	vsub.f32 v13, v14;
	v13 =	vmul.f32 v15, v15;
	v14 =	vmul.f32 v11, v11;
	_ =	sdelay $0x1  }
0x4b: {  	v13 =	vadd.f32 v14, v13;
	v14 =	vmul.f32 v12, v12;
	_ =	sdelay $0x1  }
0x4c: {  	v13 =	vadd.f32 v14, v13;
	_ =	sdelay $0x1  }
0x4d: {  	v13 =	vadd.f32 $9.999999960e-13, v13;
	_ =	sdelay $0x1  }
0x4e: {  	v14 =	vshra.s32 v13, $0x1;
	v16 =	vmul.f32 $5.000000000e-01, v13  }
0x4f: {  	v14 =	vsub.s32 $0x5F3759DF, v14  }
0x50: {  	v17 =	vmul.f32 v14, v16;
	_ =	sdelay $0x1  }
0x51: {  	v17 =	vmul.f32 v14, v17;
	_ =	sdelay $0x1  }
0x52: {  	v17 =	vsub.f32 $1.500000000e+00, v17;
	_ =	sdelay $0x1  }
0x53: {  	v14 =	vmul.f32 v14, v17;
	_ =	sdelay $0x1  }
0x54: {  	v17 =	vmul.f32 v14, v16;
	_ =	sdelay $0x1  }
0x55: {  	v17 =	vmul.f32 v17, v14;
	_ =	sdelay $0x1  }
0x56: {  	v17 =	vsub.f32 $1.500000000e+00, v17;
	_ =	sdelay $0x1  }
0x57: {  	v14 =	vmul.f32 v17, v14;
	_ =	sdelay $0x1  }
0x58: {  	v16 =	vmul.f32 v14, v16;
	_ =	sdelay $0x1  }
0x59: {  	v16 =	vmul.f32 v16, v14;
	_ =	sdelay $0x1  }
0x5a: {  	v16 =	vsub.f32 $1.500000000e+00, v16;
	_ =	sdelay $0x1  }
0x5b: {  	v14 =	vmul.f32 v16, v14;
	_ =	sdelay $0x1  }
0x5c: {  	v13 =	vmul.f32 v14, v13;
	_ =	sdelay $0x1  }
0x5d: {  	v16 =	vmul.f32 $1.923076960e-01, v13  }
0x5e: {  	v17 =	vmul.f32 $2.857142980e-01, v13  }
0x5f: {  	v16 =	vadd.f32 $-5.000000000e-01, v16  }
0x60: {  	v17 =	vadd.f32 $-5.000000000e-01, v17  }
0x61: {  	v16 =	vmul.f32 $3.141592740e+00, v16  }
0x62: {  	v17 =	vmul.f32 $3.141592740e+00, v17  }
0x63: {  	v18 =	vmul.f32 v16, v16  }
0x64: {  	v19 =	vmul.f32 v17, v17  }
0x65: {  	v20 =	vmul.f32 $2.755731880e-06, v18  }
0x66: {  	v21 =	vmul.f32 $2.755731880e-06, v19  }
0x67: {  	v20 =	vadd.f32 $-1.984127010e-04, v20  }
0x68: {  	v21 =	vadd.f32 $-1.984127010e-04, v21  }
0x69: {  	v20 =	vmul.f32 v20, v18  }
0x6a: {  	v21 =	vmul.f32 v21, v19  }
0x6b: {  	v20 =	vadd.f32 $8.333333770e-03, v20  }
0x6c: {  	v21 =	vadd.f32 $8.333333770e-03, v21  }
0x6d: {  	s28 =	simm.s32 $0x10;
	v20 =	vmul.f32 v20, v18  }
0x6e: {  	v22 =	vor.u32 s28, v1;
	v21 =	vmul.f32 v21, v19  }
0x6f: {  	v23 =	vmulhi.u32 $0xAAAAAAAB, v22;
	v20 =	vadd.f32 $-1.666666720e-01, v20  }
0x70: {  	v21 =	vadd.f32 $-1.666666720e-01, v21  }
0x71: {  	v60 =	vshrl.u32 v23, $0x4;
	v18 =	vmul.f32 v20, v18  }
0x72: {  	v61 =	vmul.u32 $0xFFFFFFE8, v60;
	v19 =	vmul.f32 v21, v19  }
0x73: {  	v63 =	vmov s28;
	v62 =	vsub.s32 $0x0, v22;
	v18 =	vadd.f32 $1.000000000e+00, v18  }
0x74: {  	vm2 =	veq.s32 v63, v1;
	vm1 =	vne.s32 v61, v62;
	v19 =	vadd.f32 $1.000000000e+00, v19  }
0x75: {  	s4 =	simm.s32 $0x0;
	vm1 =	vmand vm2, vm1;
	v16 =	vmul.f32 v18, v16  }
0x76: {  	[tilespmem:s4+$0x900] =	vst v11;
	v11 =	vsel vm1, $0xFFFFFFFF, v2;
	v17 =	vmul.f32 v19, v17  }
0x77: {  	[tilespmem:s4+$0x680] =	vst v15;
	vm1 =	vne.s32 v10, v9;
	v9 =	vadd.s32 v11, v60;
	v15 =	vmul.f32 $5.000000000e-01, v16  }
0x78: {  	[tilespmem:s4+$0xB80] =	vst v12;
	v12 =	vadd.s32 $0x18, v9;
	v10 =	vmul.f32 $5.000000000e-01, v17  }
0x79: {  	[tilespmem:s4+$0x400] =	vst v14;
	v14 =	vmul.u32 $0xFFFFFFE8, v9;
	vm3 =	vle.f32 v13, $5.199999810e+00;
	v15 =	vsub.f32 $5.000000000e-01, v15  }
0x7a: {  	vm2 =	vle.f32 v13, $3.500000000e+00;
	vm3 =	vmand vm1, vm3;
	v16 =	vsub.f32 $5.000000000e-01, v10  }
0x7b: {  	v11 =	vadd.s32 $0x30, v9;
	[tilespmem:s4+$0x180] =	vst v13;
	vm1 =	vmand vm1, vm2;
	v13 =	vnsel vm3, $0x0, v15  }
0x7c: {  	v10 =	vadd.s32 v22, v14;
	v16 =	vnsel vm1, $0x0, v16;
	vm1 =	vgt.f32 v13, $0.0e+00;
	[tilespmem:s4+$0x1080] =	vst v13  }
0x7d: {  	s0 =	simm.s32 $0x40;
	s29 =	simm.s32 $0x80;
	v14 =	vadd.s32 $0x18, v10;
	v13 =	vadd.s32 $0x30, v10;
	[tilespmem:s4+$0xE00] =	vst v16;
	v15 =	vsel vm1, $0x1, v2  }
.LBB2_5:
0x7e: {  	p0 =	sne.s32 s29, $0x8C0;
	[tilespmem:s4+$0x1300] =	vst v15;
	s2 =	smov.u32 s29;
	s29 =	sadd.s32 $0x40, s29  }
0x7f: {  	v12 =	vld.idx.msk [tilespmem:v12+s26+$0x0], $0xffff  }
0x80: {  	v15 =	vld.idx.msk [tilespmem:v9+s26+$0x0], $0xffff  }
0x81: {  	v16 =	vld.idx.msk [tilespmem:v10+s26+$0x0], $0xffff  }
0x82: {  	v14 =	vld.idx.msk [tilespmem:v14+s26+$0x0], $0xffff  }
0x83: {  	v11 =	vld.idx.msk [tilespmem:v11+s26+$0x0], $0xffff  }
0x84: {  	v13 =	vld.idx.msk [tilespmem:v13+s26+$0x0], $0xffff;
	_ =	sdelay $0x2  }
0x85: {  	v15 =	vsub.f32 v15, v16  }
0x86: {  	s4 =	sshra.s32 s0, $0x2;
	s0 =	smov.u32 s2;
	v12 =	vsub.f32 v12, v14  }
0x87: {  	[tilespmem:s4+$0x680] =	vst v15  }
0x88: {  	v11 =	vsub.f32 v11, v13;
	v13 =	vmul.f32 v15, v15;
	v14 =	vmul.f32 v12, v12;
	[tilespmem:s4+$0x900] =	vst v12;
	_ =	sdelay $0x1  }
0x89: {  	v12 =	vadd.f32 v14, v13;
	v13 =	vmul.f32 v11, v11;
	[tilespmem:s4+$0xB80] =	vst v11;
	_ =	sdelay $0x1  }
0x8a: {  	v11 =	vadd.f32 v13, v12;
	_ =	sdelay $0x1  }
0x8b: {  	v11 =	vadd.f32 $9.999999960e-13, v11;
	_ =	sdelay $0x1  }
0x8c: {  	v12 =	vshra.s32 v11, $0x1;
	v13 =	vmul.f32 $5.000000000e-01, v11  }
0x8d: {  	v12 =	vsub.s32 $0x5F3759DF, v12  }
0x8e: {  	v14 =	vmul.f32 v12, v13;
	_ =	sdelay $0x1  }
0x8f: {  	v14 =	vmul.f32 v12, v14;
	_ =	sdelay $0x1  }
0x90: {  	v14 =	vsub.f32 $1.500000000e+00, v14;
	_ =	sdelay $0x1  }
0x91: {  	v12 =	vmul.f32 v12, v14;
	_ =	sdelay $0x1  }
0x92: {  	v14 =	vmul.f32 v12, v13;
	_ =	sdelay $0x1  }
0x93: {  	v14 =	vmul.f32 v14, v12;
	_ =	sdelay $0x1  }
0x94: {  	v14 =	vsub.f32 $1.500000000e+00, v14;
	_ =	sdelay $0x1  }
0x95: {  	v12 =	vmul.f32 v14, v12;
	_ =	sdelay $0x1  }
0x96: {  	v13 =	vmul.f32 v12, v13;
	_ =	sdelay $0x1  }
0x97: {  	v13 =	vmul.f32 v13, v12;
	_ =	sdelay $0x1  }
0x98: {  	v13 =	vsub.f32 $1.500000000e+00, v13;
	_ =	sdelay $0x1  }
0x99: {  	v12 =	vmul.f32 v13, v12;
	_ =	sdelay $0x1  }
0x9a: {  	v11 =	vmul.f32 v12, v11;
	[tilespmem:s4+$0x400] =	vst v12;
	_ =	sdelay $0x1  }
0x9b: {  	vm2 =	vle.f32 v11, $5.199999810e+00;
	v12 =	vmul.f32 $1.923076960e-01, v11;
	v13 =	vmul.f32 $2.857142980e-01, v11  }
0x9c: {  	vm1 =	vle.f32 v11, $3.500000000e+00;
	[tilespmem:s4+$0x180] =	vst v11  }
0x9d: {  	v11 =	vadd.f32 $-5.000000000e-01, v12;
	v12 =	vadd.f32 $-5.000000000e-01, v13;
	_ =	sdelay $0x1  }
0x9e: {  	v11 =	vmul.f32 $3.141592740e+00, v11;
	v12 =	vmul.f32 $3.141592740e+00, v12;
	_ =	sdelay $0x1  }
0x9f: {  	v13 =	vmul.f32 v11, v11;
	v14 =	vmul.f32 v12, v12;
	_ =	sdelay $0x1  }
0xa0: {  	v15 =	vmul.f32 $2.755731880e-06, v13;
	v16 =	vmul.f32 $2.755731880e-06, v14;
	_ =	sdelay $0x1  }
0xa1: {  	v15 =	vadd.f32 $-1.984127010e-04, v15;
	v16 =	vadd.f32 $-1.984127010e-04, v16;
	_ =	sdelay $0x1  }
0xa2: {  	v15 =	vmul.f32 v15, v13;
	v16 =	vmul.f32 v16, v14;
	_ =	sdelay $0x1  }
0xa3: {  	v15 =	vadd.f32 $8.333333770e-03, v15;
	v16 =	vadd.f32 $8.333333770e-03, v16;
	_ =	sdelay $0x1  }
0xa4: {  	v15 =	vmul.f32 v15, v13;
	v16 =	vmul.f32 v16, v14;
	_ =	sdelay $0x1  }
0xa5: {  	s28 =	sadd.s32 $0x10, s28;
	v15 =	vadd.f32 $-1.666666720e-01, v15;
	v16 =	vadd.f32 $-1.666666720e-01, v16  }
0xa6: {  	v17 =	vor.u32 s28, v1  }
0xa7: {  	v18 =	vmulhi.u32 $0xAAAAAAAB, v17;
	v13 =	vmul.f32 v15, v13  }
0xa8: {  	v14 =	vmul.f32 v16, v14  }
0xa9: {  	v15 =	vshrl.u32 v18, $0x4;
	v13 =	vadd.f32 $1.000000000e+00, v13  }
0xaa: {  	v16 =	vmul.u32 $0xFFFFFFE8, v15;
	v14 =	vadd.f32 $1.000000000e+00, v14  }
0xab: {  	v19 =	vsub.s32 $0x0, v17;
	v18 =	vmov s28;
	v11 =	vmul.f32 v13, v11  }
0xac: {  	vm3 =	veq.s32 v18, v1;
	vm4 =	vne.s32 v16, v19;
	v12 =	vmul.f32 v14, v12  }
0xad: {  	vm3 =	vmand vm3, vm4;
	v11 =	vmul.f32 $5.000000000e-01, v11  }
0xae: {  	v13 =	vsel vm3, $0xFFFFFFFF, v2;
	vm3 =	vne.s32 v9, v10;
	v10 =	vmul.f32 $5.000000000e-01, v12  }
.Ltmp5:
0xaf: {  	v9 =	vadd.s32 v13, v15;
	vm2 =	vmand vm3, vm2;
	v13 =	vsub.f32 $5.000000000e-01, v11;
	(pc) =	sbr.rel @p0 .LBB2_5-.Ltmp5, $4  }
0xb0: {  	v14 =	vmul.u32 $0xFFFFFFE8, v9;
	v12 =	vadd.s32 $0x18, v9;
	v15 =	vsub.f32 $5.000000000e-01, v10  }
0xb1: {  	vm1 =	vmand vm3, vm1;
	v11 =	vadd.s32 $0x30, v9;
	v13 =	vnsel vm2, $0x0, v13  }
0xb2: {  	v10 =	vadd.s32 v17, v14;
	v16 =	vnsel vm1, $0x0, v15;
	vm1 =	vgt.f32 v13, $0.0e+00;
	[tilespmem:s4+$0x1080] =	vst v13  }
0xb3: {  	v14 =	vadd.s32 $0x18, v10;
	v13 =	vadd.s32 $0x30, v10;
	v15 =	vsel vm1, $0x1, v2;
	[tilespmem:s4+$0xE00] =	vst v16  }
0xb4: {  	_ =	sdelay $0x2  }
0xb5: {  	[tilespmem:s4+$0x1300] =	vst v15  }
0xb6: {  	v12 =	vld.idx.msk [tilespmem:v12+s26+$0x0], $0xffff  }
0xb7: {  	v15 =	vld.idx.msk [tilespmem:v9+s26+$0x0], $0xffff  }
0xb8: {  	v16 =	vld.idx.msk [tilespmem:v10+s26+$0x0], $0xffff  }
0xb9: {  	v14 =	vld.idx.msk [tilespmem:v14+s26+$0x0], $0xffff  }
0xba: {  	v11 =	vld.idx.msk [tilespmem:v11+s26+$0x0], $0xffff  }
0xbb: {  	v13 =	vld.idx.msk [tilespmem:v13+s26+$0x0], $0xffff;
	_ =	sdelay $0x2  }
0xbc: {  	v15 =	vsub.f32 v15, v16;
	v12 =	vsub.f32 v12, v14;
	_ =	sdelay $0x1  }
0xbd: {  	v11 =	vsub.f32 v11, v13;
	v56 =	vmul.f32 v15, v15;
	v14 =	vmul.f32 v12, v12;
	_ =	sdelay $0x1  }
0xbe: {  	v57 =	vmul.f32 v11, v11;
	v13 =	vadd.f32 v14, v56;
	_ =	sdelay $0x1  }
0xbf: {  	v13 =	vadd.f32 v57, v13;
	_ =	sdelay $0x1  }
0xc0: {  	v13 =	vadd.f32 $9.999999960e-13, v13;
	_ =	sdelay $0x1  }
0xc1: {  	v58 =	vshra.s32 v13, $0x1;
	v59 =	vmul.f32 $5.000000000e-01, v13  }
0xc2: {  	v14 =	vsub.s32 $0x5F3759DF, v58  }
0xc3: {  	v17 =	vmul.f32 v14, v59;
	_ =	sdelay $0x1  }
0xc4: {  	v17 =	vmul.f32 v14, v17;
	_ =	sdelay $0x1  }
0xc5: {  	v17 =	vsub.f32 $1.500000000e+00, v17;
	_ =	sdelay $0x1  }
0xc6: {  	v14 =	vmul.f32 v14, v17;
	_ =	sdelay $0x1  }
0xc7: {  	v17 =	vmul.f32 v14, v59;
	_ =	sdelay $0x1  }
0xc8: {  	v17 =	vmul.f32 v17, v14;
	_ =	sdelay $0x1  }
0xc9: {  	v17 =	vsub.f32 $1.500000000e+00, v17;
	_ =	sdelay $0x1  }
0xca: {  	v14 =	vmul.f32 v17, v14;
	_ =	sdelay $0x1  }
0xcb: {  	v16 =	vmul.f32 v14, v59;
	_ =	sdelay $0x1  }
0xcc: {  	v16 =	vmul.f32 v16, v14;
	_ =	sdelay $0x1  }
0xcd: {  	v16 =	vsub.f32 $1.500000000e+00, v16;
	_ =	sdelay $0x1  }
0xce: {  	v14 =	vmul.f32 v16, v14;
	_ =	sdelay $0x1  }
0xcf: {  	v13 =	vmul.f32 v14, v13;
	_ =	sdelay $0x1  }
0xd0: {  	v60 =	vmul.f32 $1.923076960e-01, v13  }
0xd1: {  	v61 =	vmul.f32 $2.857142980e-01, v13  }
0xd2: {  	v16 =	vadd.f32 $-5.000000000e-01, v60  }
0xd3: {  	v17 =	vadd.f32 $-5.000000000e-01, v61  }
0xd4: {  	v16 =	vmul.f32 $3.141592740e+00, v16  }
0xd5: {  	v17 =	vmul.f32 $3.141592740e+00, v17  }
0xd6: {  	v18 =	vmul.f32 v16, v16  }
0xd7: {  	v19 =	vmul.f32 v17, v17  }
0xd8: {  	v20 =	vmul.f32 $2.755731880e-06, v18  }
0xd9: {  	v21 =	vmul.f32 $2.755731880e-06, v19  }
0xda: {  	v20 =	vadd.f32 $-1.984127010e-04, v20  }
0xdb: {  	v21 =	vadd.f32 $-1.984127010e-04, v21  }
0xdc: {  	v20 =	vmul.f32 v20, v18  }
0xdd: {  	v21 =	vmul.f32 v21, v19  }
0xde: {  	v20 =	vadd.f32 $8.333333770e-03, v20  }
0xdf: {  	v21 =	vadd.f32 $8.333333770e-03, v21  }
0xe0: {  	v20 =	vmul.f32 v20, v18  }
0xe1: {  	v21 =	vmul.f32 v21, v19  }
0xe2: {  	v20 =	vadd.f32 $-1.666666720e-01, v20  }
0xe3: {  	v21 =	vadd.f32 $-1.666666720e-01, v21  }
0xe4: {  	v18 =	vmul.f32 v20, v18  }
0xe5: {  	v19 =	vmul.f32 v21, v19  }
0xe6: {  	v18 =	vadd.f32 $1.000000000e+00, v18  }
0xe7: {  	v19 =	vadd.f32 $1.000000000e+00, v19  }
0xe8: {  	v16 =	vmul.f32 v18, v16  }
0xe9: {  	s0 =	sshra.s32 s0, $0x2;
	v17 =	vmul.f32 v19, v17  }
0xea: {  	[tilespmem:s0+$0x680] =	vst v15;
	v62 =	vmul.f32 $5.000000000e-01, v16  }
0xeb: {  	[tilespmem:s0+$0x900] =	vst v12;
	v63 =	vmul.f32 $5.000000000e-01, v17  }
0xec: {  	vm2 =	vne.s32 v9, v10;
	[tilespmem:s0+$0xB80] =	vst v11;
	vm1 =	vle.f32 v13, $5.199999810e+00;
	v9 =	vsub.f32 $5.000000000e-01, v62  }
0xed: {  	[tilespmem:s0+$0x400] =	vst v14;
	vm3 =	vle.f32 v13, $3.500000000e+00;
	vm1 =	vmand vm2, vm1;
	v10 =	vsub.f32 $5.000000000e-01, v63  }
0xee: {  	[tilespmem:s0+$0x180] =	vst v13;
	v9 =	vnsel vm1, $0x0, v9;
	vm1 =	vmand vm2, vm3  }
0xef: {  	v10 =	vnsel vm1, $0x0, v10;
	vm1 =	vgt.f32 v9, $0.0e+00;
	[tilespmem:s0+$0x1080] =	vst v9  }
0xf0: {  	v9 =	vsel vm1, $0x1, v2;
	[tilespmem:s0+$0xE00] =	vst v10  }
0xf1: {  	[tilespmem:s0+$0x1300] =	vst v9  }
.LBB2_7:
0xf2: {  	v9 =	vmov s26;
	_ =	sdelay $0x4  }
0xf3: {  	v10 =	vld.idx.msk [tilespmem:v9+s14+$0x0], $0xffff;
	_ =	sdelay $0x4  }
0xf4: {  	(v2sf) =	vpush v10, $0x0;
	_ =	sdelay $0xb  }
0xf5: {  	s0 =	smulhi.u32 $0xAAAAAAAB, s26;
	_ =	sdelay $0x1  }
0xf6: {  	s0 =	sshrl.u32 s0, $0x4  }
0xf7: {  	s0 =	smul.u32 $0xFFFFFFE8, s0;
	s2 =	spop (v2sf)  }
0xf8: {  	p0 =	slt.s32 s2, $0x1  }
0xf9: {  	s0 =	sadd.s32 @!p0 s0, s26  }
0xfa: {  	v10 =	vmov @!p0 s0;
	_ =	sdelay $0x3  }
0xfb: {  	s0 =	simm.s32 @!p0 $0x80  }
0xfc: {  	v10 =	vld.idx.msk @!p0 [tilespmem:v10+s0+$0x0], $0xffff;
	s0 =	simm.s32 @!p0 $0x180  }
0xfd: {  	v11 =	vld.idx.msk @!p0 [tilespmem:v9+s0+$0x0], $0xffff;
	_ =	sdelay $0x4  }
0xfe: {  	(v2sf) =	vpush @!p0 v10, $0x0;
	v10 =	vsub.f32 @!p0 v11, v4;
	_ =	sdelay $0x1  }
0xff: {  	v11 =	vmul.f32 @!p0 $-1.600000000e+01, v10;
	_ =	sdelay $0x1  }
0x100: {  	v10 =	vmul.f32 @!p0 v11, v10;
	_ =	sdelay $0x1  }
0x101: {  	v10 =	vmul.f32 @!p0 $1.442695020e+00, v10;
	_ =	sdelay $0x1  }
0x102: {  	(erf) = vpow2.f32 @!p0 v10;
	_ =	sdelay $0x1  }
0x103: {  	s0 =	simm.s32 @!p0 $0x1080  }
0x104: {  	v9 =	vld.idx.msk @!p0 [tilespmem:v9+s0+$0x0], $0xffff  }
0x105: {  	s0 =	smul.u32 @!p0 $0xAAAB, s26;
	_ =	sdelay $0x1  }
0x106: {  	s26 =	sadd.s32 $0x1, s26;
	s0 =	sshrl.u32 @!p0 s0, $0x14  }
0x107: {  	p1 =	sne.s32 s26, $0x240;
	s0 =	smul.u32 @!p0 $0x180, s0;
	s2 =	spop @!p0 (v2sf)  }
.Ltmp6:
0x108: {  	v9 =	vmul.f32 @!p0 $2.500000000e-01, v9;
	s2 =	sshll.u32 @!p0 s2, $0x4;
	(pc) =	sbr.rel @p1 .LBB2_7-.Ltmp6, $4  }
0x109: {  	s0 =	sadd.s32 @!p0 s0, s2;
	v10 =	vpop @!p0 (erf)  }
0x10a: {  	s2 =	sand.u32 @!p0 $0x70, s2;
	s0 =	sand.u32 @!p0 $0xFFFFFF80, s0;
	v9 =	vmul.f32 @!p0 v10, v9  }
0x10b: {  	s0 =	sor.u32 @!p0 s2, s0  }
0x10c: {  	[tilespmem:s0+$0x1600] =	vst.add.f32.msk @!p0 $0xffff, v9  }
.Ltmp7:
0x10d: {  	(pc) =	sbr.rel .LBB2_9-.Ltmp7, $2  }
0x10e: {  	_ =	sdelay $0x2  }
0x10f: {  	s26 =	simm.s32 $0x0  }
.LBB2_14:
0x110: {  	s26 =	sadd.s32 $0x1, s26  }
0x111: {  	p0 =	sne.s32 s26, $0x18  }
.Ltmp8:
0x112: {  	_ = 	snop;
	(pc) =	sbr.rel @!p0 .LBB2_15-.Ltmp8, $1  }
0x113: {  	_ =	sdelay $0x3  }
.LBB2_9:
0x114: {  	s28 =	smul.u32 $0x18, s26;
	_ =	sdelay $0x1  }
0x115: {  	v9 =	vadd.s32 s28, v1;
	_ =	sdelay $0x4  }
0x116: {  	v9 =	vld.idx.msk [tilespmem:v9+s15+$0x0], $0xffff;
	_ =	sdelay $0x4  }
0x117: {  	vm1 =	vgt.f32 v9, $0.0e+00  }
0x118: {  	v9 =	vsel vm1, $0x1, v2  }
0x119: {  	(xrf0) =	vadd.scan.msk.s32 $0xffff, v9;
	_ =	sdelay $0x5  }
0x11a: {  	v9, _, _ =	vpop (xrf0)  }
0x11b: {  	v10 =	vadd.s32 $0xFFFFFFFF, v9  }
0x11c: {  	v11 =	vadd.s32 s28, v3;
	_ =	sdelay $0x3  }
0x11d: {  	[tilespmem:v10+s16+$0x0] =	vst.idx.msk vm1, v1  }
0x11e: {  	v10 =	vld.idx.msk [tilespmem:v11+s15+$0x0], $0xffff;
	_ =	sdelay $0x4  }
0x11f: {  	vm1 =	vgt.f32 v10, $0.0e+00  }
0x120: {  	v9 =	vxor.u32 $0x80000000, v9;
	vm1 =	vmand vm1, vm0  }
0x121: {  	(xrf0) =	vmax.scan.msk.u32 $0xffff, v9;
	v9 =	vsel vm1, $0x1, v2  }
0x122: {  	(xrf0) =	vadd.scan.msk.s32 $0xffff, v9;
	_ =	sdelay $0x4  }
0x123: {  	v9, _, _ =	vpop (xrf0)  }
0x124: {  	v10, _, _ =	vpop (xrf0)  }
0x125: {  	v11 =	vxor.u32 $0x80000000, v10  }
0x126: {  	(xrf0) =	vmax.scan.msk.u32 $0xffff, v11;
	_ =	sdelay $0x3  }
0x127: {  	(v2sf) =	vpush v9, $0xF;
	_ =	sdelay $0x1  }
0x128: {  	v9, _, _ =	vpop (xrf0)  }
0x129: {  	(v2sf) =	vpush v9, $0xF;
	_ =	sdelay $0xb  }
0x12a: {  	s0 =	spop (v2sf)  }
0x12b: {  	s0 =	sxor.u32 $0x80000000, s0  }
0x12c: {  	v9 =	vmov s0  }
0x12d: {  	v9 =	vadd.s32 $0xFFFFFFFF, v9;
	s2 =	spop (v2sf)  }
0x12e: {  	v9 =	vbroadcast v9, $0x0;
	s0 =	sadd.s32 s2, s0  }
0x12f: {  	s29 =	sadd.s32 $0x80000000, s0  }
0x130: {  	v9 =	vadd.s32 v10, v9;
	p0 =	slt.s32 s29, $0x2  }
.Ltmp9:
0x131: {  	_ = 	snop;
	(pc) =	sbr.rel @p0 .LBB2_14-.Ltmp9, $2  }
0x132: {  	_ =	sdelay $0x2  }
0x133: {  	[tilespmem:v9+s16+$0x0] =	vst.idx.msk vm1, v3  }
0x134: {  	s0 =	smul.u32 $0x600, s26;
	_ =	sdelay $0x1  }
0x135: {  	s0 =	sshra.s32 s0, $0x2  }
0x136: {  	s31 =	simm.s32 $0x1;
	s30 =	sadd.s32 $0x1640, s0  }
.LBB2_11:
0x137: {  	v9 =	vmov s31;
	_ =	sdelay $0x4  }
0x138: {  	v9 =	vld.idx.msk [tilespmem:v9+s16+$0x0], $0xffff;
	_ =	sdelay $0x4  }
0x139: {  	v10 =	vbroadcast v9, $0x0  }
0x13a: {  	s0 =	simm.s32 $0x0  }
0x13b: {  	v11 =	vmov s0;
	_ =	sdelay $0x3  }
0x13c: {  	v10 =	vld.idx.msk [tilespmem:v10+s13+$0x0], $0xffff  }
0x13d: {  	v13 =	vld.idx.msk [tilespmem:v11+s16+$0x0], $0xffff;
	_ =	sdelay $0x2  }
0x13e: {  	(v2sf) =	vpush v9, $0x0  }
0x13f: {  	(v2sf) =	vpush v10, $0x0  }
0x140: {  	(v2sf) =	vpush v13, $0x0;
	_ =	sdelay $0xc  }
0x141: {  	s2 =	spop (v2sf)  }
0x142: {  	s2 =	sadd.s32 s28, s2;
	s0 =	spop (v2sf)  }
0x143: {  	v14 =	vmov s2;
	s11 =	spop (v2sf)  }
0x144: {  	s2 =	sadd.s32 s28, s11  }
0x145: {  	v15 =	vmov s2;
	_ =	sdelay $0x2  }
0x146: {  	v9 =	vld.idx.msk [tilespmem:v14+s19+$0x0], $0xffff  }
0x147: {  	v10 =	vld.idx.msk [tilespmem:v14+s20+$0x0], $0xffff  }
0x148: {  	v12 =	vld.idx.msk [tilespmem:v15+s19+$0x0], $0xffff  }
0x149: {  	v16 =	vld.idx.msk [tilespmem:v15+s20+$0x0], $0xffff  }
0x14a: {  	v11 =	vld.idx.msk [tilespmem:v14+s21+$0x0], $0xffff  }
0x14b: {  	v17 =	vld.idx.msk [tilespmem:v15+s21+$0x0], $0xffff;
	_ =	sdelay $0x2  }
0x14c: {  	v12 =	vmul.f32 v12, v9;
	v16 =	vmul.f32 v16, v10  }
0x14d: {  	v18 =	vld.idx.msk [tilespmem:v15+s18+$0x0], $0xffff  }
0x14e: {  	v17 =	vmul.f32 v17, v11;
	v16 =	vadd.f32 v16, v12  }
0x14f: {  	v12 =	vld.idx.msk [tilespmem:v14+s18+$0x0], $0xffff  }
0x150: {  	v16 =	vadd.f32 v17, v16;
	_ =	sdelay $0x1  }
0x151: {  	v16 =	vmul.f32 v16, v18;
	_ =	sdelay $0x1  }
0x152: {  	v16 =	vmul.f32 v16, v12;
	_ =	sdelay $0x1  }
0x153: {  	v16 =	vmax.f32 v16, $-1.000000000e+00  }
0x154: {  	v16 =	vmin.f32 v16, $1.000000000e+00  }
0x155: {  	v16 =	vmul.f32 $9.499999880e-01, v16;
	_ =	sdelay $0x1  }
0x156: {  	v17 =	vmul.f32 v16, v16;
	_ =	sdelay $0x1  }
0x157: {  	v17 =	vsub.f32 $1.000000000e+00, v17;
	_ =	sdelay $0x1  }
0x158: {  	v58 =	vshra.s32 v17, $0x1;
	v19 =	vmul.f32 $5.000000000e-01, v17  }
0x159: {  	v18 =	vsub.s32 $0x5F3759DF, v58  }
0x15a: {  	v20 =	vmul.f32 v18, v19;
	_ =	sdelay $0x1  }
0x15b: {  	v20 =	vmul.f32 v18, v20;
	_ =	sdelay $0x1  }
0x15c: {  	v20 =	vsub.f32 $1.500000000e+00, v20  }
0x15d: {  	v13 =	vbroadcast v13, $0x0  }
0x15e: {  	v18 =	vmul.f32 v18, v20;
	_ =	sdelay $0x1  }
0x15f: {  	v20 =	vmul.f32 v18, v19;
	_ =	sdelay $0x1  }
0x160: {  	v20 =	vmul.f32 v20, v18  }
0x161: {  	v13 =	vld.idx.msk [tilespmem:v13+s13+$0x0], $0xffff  }
0x162: {  	v20 =	vsub.f32 $1.500000000e+00, v20;
	_ =	sdelay $0x1  }
0x163: {  	v18 =	vmul.f32 v20, v18;
	_ =	sdelay $0x1  }
0x164: {  	(v2sf) =	vpush v13, $0x0;
	v13 =	vmul.f32 v18, v19;
	_ =	sdelay $0x1  }
0x165: {  	v13 =	vmul.f32 v13, v18;
	_ =	sdelay $0x1  }
0x166: {  	v60 =	vld.idx.msk [tilespmem:v15+s17+$0x0], $0xffff;
	v59 =	vsub.f32 $1.500000000e+00, v13  }
0x167: {  	v13 =	vld.idx.msk [tilespmem:v14+s17+$0x0], $0xffff  }
0x168: {  	v18 =	vmul.f32 v59, v18;
	_ =	sdelay $0x1  }
0x169: {  	v16 =	vmul.f32 v16, v5;
	v17 =	vmul.f32 v18, v17;
	_ =	sdelay $0x1  }
0x16a: {  	v16 =	vadd.f32 $5.000000000e-01, v16;
	v61 =	vadd.f32 v60, v13;
	v17 =	vmul.f32 v17, v6;
	_ =	sdelay $0x1  }
0x16b: {  	v16 =	vadd.f32 v17, v16;
	v17 =	vmul.f32 $5.000000000e-01, v61;
	_ =	sdelay $0x1  }
0x16c: {  	v18 =	vsub.f32 v17, v7  }
0x16d: {  	v17 =	vsub.f32 v17, v8  }
0x16e: {  	v62 =	vmul.f32 $-8.000000000e+00, v18  }
0x16f: {  	s2 =	spop (v2sf);
	v63 =	vmul.f32 $-8.000000000e+00, v17  }
0x170: {  	s4 =	smov.u32 s0;
	p0 =	slt.s32 s2, s0;
	v18 =	vmul.f32 v62, v18  }
0x171: {  	s4 =	smov.u32 @p0 s2;
	v17 =	vmul.f32 v63, v17  }
0x172: {  	s11 =	sadd.s32 $0x1, s4;
	v16 =	vmul.f32 v16, v16;
	v18 =	vmul.f32 $1.442695020e+00, v18  }
0x173: {  	s11 =	smul.u32 s4, s11;
	v14 =	vld.idx.msk [tilespmem:v14+s15+$0x0], $0xffff;
	v17 =	vmul.f32 $1.442695020e+00, v17  }
0x174: {  	v16 =	vmul.f32 v16, v16;
	(erf) = vpow2.f32 v18  }
0x175: {  	s3 =	smov.u32 s0;
	v15 =	vld.idx.msk [tilespmem:v15+s15+$0x0], $0xffff;
	s23 =	sand.u32 $0x1, s11;
	(erf) = vpow2.f32 v17  }
0x176: {  	p0 =	sgt.s32 s2, s0;
	p6 =	slt.s32 s11, $0x1;
	p1 =	seq.s32 s23, $0x1;
	v16 =	vmul.f32 v16, v16  }
0x177: {  	s3 =	smov.u32 @p0 s2;
	p0 =	por !p6, !p1;
	p1 =	sne.s32 s31, $0x1  }
.Ltmp10:
0x178: {  	s4 =	sshll.u32 s4, $0x2;
	s10 =	sshrl.u32 s11, $0x1F;
	v14 =	vadd.f32 v14, v14;
	v16 =	vmul.f32 v16, v16;
	(pc) =	sbr.rel @!p1 .LBB2_13-.Ltmp10, $4  }
0x179: {  	s3 =	sadd.s32 s3, s4;
	s23 =	sadd.s32 s10, s11  }
0x17a: {  	s10 =	simm.s32 $0x1;
	s2 =	sshrl.u32 s23, $0x1;
	p0 =	por !p0, !p0;
	v15 =	vmul.f32 v15, v14;
	v16 =	vmul.f32 v16, v16  }
0x17b: {  	s2 =	ssub.s32 s3, s2;
	s10 =	simm.s32 @!p0 $0x0  }
0x17c: {  	s4 =	simm.s32 $0x1;
	s2 =	sadd.s32 s10, s2;
	v15 =	vmul.f32 v16, v15  }
.LBB2_12:
0x17d: {  	v16 =	vmov s4;
	s2 =	sshll.u32 s2, $0x7;
	v17 =	vpop (erf)  }
0x17e: {  	s4 =	sadd.s32 $0x1, s4;
	v17 =	vmul.f32 v15, v17;
	s2 =	sshra.s32 s2, $0x2;
	v18 =	vpop (erf)  }
0x17f: {  	p0 =	sne.s32 s31, s4;
	v15 =	vmul.f32 v15, v18;
	s2 =	sadd.s32 s2, s30  }
0x180: {  	[tilespmem:s2+$0x0] =	vst.add.f32.msk $0xffff, v17  }
0x181: {  	[tilespmem:s2+$0x10] =	vst.add.f32.msk $0xffff, v15  }
0x182: {  	v15 =	vld.idx.msk [tilespmem:v16+s16+$0x0], $0xffff;
	_ =	sdelay $0x5  }
0x183: {  	(v2sf) =	vpush v15, $0x0;
	_ =	sdelay $0xe  }
0x184: {  	s2 =	spop (v2sf)  }
0x185: {  	s2 =	sadd.s32 s28, s2  }
0x186: {  	v16 =	vmov s2;
	_ =	sdelay $0x4  }
0x187: {  	v17 =	vld.idx.msk [tilespmem:v16+s19+$0x0], $0xffff  }
0x188: {  	v18 =	vld.idx.msk [tilespmem:v16+s20+$0x0], $0xffff;
	_ =	sdelay $0x1  }
0x189: {  	v19 =	vld.idx.msk [tilespmem:v16+s21+$0x0], $0xffff;
	_ =	sdelay $0x3  }
0x18a: {  	v17 =	vmul.f32 v17, v9;
	v18 =	vmul.f32 v18, v10;
	v20 =	vld.idx.msk [tilespmem:v16+s18+$0x0], $0xffff;
	_ =	sdelay $0x1  }
0x18b: {  	v17 =	vadd.f32 v18, v17;
	v18 =	vmul.f32 v19, v11;
	_ =	sdelay $0x1  }
0x18c: {  	v17 =	vadd.f32 v18, v17;
	_ =	sdelay $0x1  }
0x18d: {  	v17 =	vmul.f32 v17, v20;
	_ =	sdelay $0x1  }
0x18e: {  	v17 =	vmul.f32 v17, v12;
	_ =	sdelay $0x1  }
0x18f: {  	v17 =	vmax.f32 v17, $-1.000000000e+00  }
0x190: {  	v17 =	vmin.f32 v17, $1.000000000e+00  }
0x191: {  	v17 =	vmul.f32 $9.499999880e-01, v17;
	_ =	sdelay $0x1  }
0x192: {  	v18 =	vmul.f32 v17, v17;
	_ =	sdelay $0x1  }
0x193: {  	v18 =	vsub.f32 $1.000000000e+00, v18;
	_ =	sdelay $0x1  }
0x194: {  	v19 =	vshra.s32 v18, $0x1;
	v20 =	vmul.f32 $5.000000000e-01, v18  }
0x195: {  	v19 =	vsub.s32 $0x5F3759DF, v19  }
0x196: {  	v21 =	vmul.f32 v19, v20;
	_ =	sdelay $0x1  }
0x197: {  	v15 =	vbroadcast v15, $0x0;
	v21 =	vmul.f32 v19, v21;
	_ =	sdelay $0x1  }
0x198: {  	v21 =	vsub.f32 $1.500000000e+00, v21;
	_ =	sdelay $0x1  }
0x199: {  	v19 =	vmul.f32 v19, v21;
	_ =	sdelay $0x1  }
0x19a: {  	v21 =	vmul.f32 v19, v20;
	v15 =	vld.idx.msk [tilespmem:v15+s13+$0x0], $0xffff;
	_ =	sdelay $0x1  }
0x19b: {  	v21 =	vmul.f32 v21, v19;
	_ =	sdelay $0x1  }
0x19c: {  	v21 =	vsub.f32 $1.500000000e+00, v21;
	_ =	sdelay $0x1  }
0x19d: {  	v19 =	vmul.f32 v21, v19;
	v21 =	vld.idx.msk [tilespmem:v16+s17+$0x0], $0xffff;
	(v2sf) =	vpush v15, $0x0;
	_ =	sdelay $0x1  }
0x19e: {  	v15 =	vmul.f32 v19, v20;
	_ =	sdelay $0x1  }
0x19f: {  	v15 =	vmul.f32 v15, v19;
	_ =	sdelay $0x1  }
0x1a0: {  	v15 =	vsub.f32 $1.500000000e+00, v15;
	v20 =	vadd.f32 v21, v13;
	_ =	sdelay $0x1  }
0x1a1: {  	v15 =	vmul.f32 v15, v19;
	v19 =	vmul.f32 $5.000000000e-01, v20;
	_ =	sdelay $0x1  }
0x1a2: {  	v17 =	vmul.f32 v17, v5;
	v15 =	vmul.f32 v15, v18;
	v18 =	vsub.f32 v19, v7  }
0x1a3: {  	v19 =	vsub.f32 v19, v8  }
0x1a4: {  	v17 =	vadd.f32 $5.000000000e-01, v17;
	v15 =	vmul.f32 v15, v6;
	v20 =	vmul.f32 $-8.000000000e+00, v18  }
0x1a5: {  	v21 =	vmul.f32 $-8.000000000e+00, v19  }
0x1a6: {  	v15 =	vadd.f32 v15, v17;
	v17 =	vmul.f32 v20, v18  }
0x1a7: {  	v18 =	vmul.f32 v21, v19;
	s2 =	spop (v2sf)  }
0x1a8: {  	s3 =	smov.u32 s0;
	v15 =	vmul.f32 v15, v15;
	v17 =	vmul.f32 $1.442695020e+00, v17;
	p1 =	slt.s32 s2, s0  }
0x1a9: {  	v18 =	vmul.f32 $1.442695020e+00, v18;
	s3 =	smov.u32 @p1 s2  }
0x1aa: {  	v15 =	vmul.f32 v15, v15;
	v16 =	vld.idx.msk [tilespmem:v16+s15+$0x0], $0xffff;
	s10 =	sadd.s32 $0x1, s3;
	(erf) = vpow2.f32 v17  }
0x1ab: {  	s11 =	smov.u32 s0;
	p1 =	sgt.s32 s2, s0;
	s10 =	smul.u32 s3, s10;
	(erf) = vpow2.f32 v18  }
0x1ac: {  	s11 =	smov.u32 @p1 s2;
	v15 =	vmul.f32 v15, v15  }
0x1ad: {  	s2 =	sand.u32 $0x1, s10;
	s23 =	sshrl.u32 s10, $0x1F;
	p1 =	slt.s32 s10, $0x1  }
.Ltmp11:
0x1ae: {  	v15 =	vmul.f32 v15, v15;
	p2 =	seq.s32 s2, $0x1;
	s2 =	sshll.u32 s3, $0x2;
	(pc) =	sbr.rel @p0 .LBB2_12-.Ltmp11, $4  }
0x1af: {  	s3 =	sadd.s32 s23, s10;
	s10 =	simm.s32 $0x1;
	p1 =	por !p1, !p2  }
0x1b0: {  	v15 =	vmul.f32 v15, v15;
	v16 =	vmul.f32 v16, v14;
	s3 =	sshrl.u32 s3, $0x1;
	s2 =	sadd.s32 s11, s2;
	p1 =	por !p1, !p1  }
0x1b1: {  	s2 =	ssub.s32 s2, s3;
	s10 =	simm.s32 @!p1 $0x0  }
0x1b2: {  	v15 =	vmul.f32 v15, v16;
	s2 =	sadd.s32 s10, s2  }
.LBB2_13:
0x1b3: {  	s31 =	sadd.s32 $0x1, s31  }
0x1b4: {  	p0 =	sne.s32 s31, s29  }
.Ltmp12:
0x1b5: {  	s0 =	sshll.u32 s2, $0x7;
	v9 =	vpop (erf);
	(pc) =	sbr.rel @p0 .LBB2_11-.Ltmp12, $4  }
.Ltmp13:
0x1b6: {  	v9 =	vmul.f32 v15, v9;
	s0 =	sshra.s32 s0, $0x2;
	v10 =	vpop (erf);
	(pc) =	sbr.rel @!p0 .LBB2_14-.Ltmp13, $4  }
0x1b7: {  	v10 =	vmul.f32 v15, v10;
	s0 =	sadd.s32 s0, s30  }
0x1b8: {  	[tilespmem:s0+$0x0] =	vst.add.f32.msk $0xffff, v9  }
0x1b9: {  	[tilespmem:s0+$0x10] =	vst.add.f32.msk $0xffff, v10  }
0x1ba: {  	_ = 	snop  }
.LBB2_17:
0x1bb: {  	_ =	sfence.sel $0x180000  }
0x1bc: {  	[bflag:$0x0] =	sbarrier.arrive $0xFFFF  }
0x1bd: {  	_ =	strace $0x90000047  }
0x1be: {  	s0 =	stileid.u32;
	[bflag:$0x2] =	sbarrier.arrive $0xFFFF  }
0x1bf: {  	p0 =	sne.s32 s0, $0x0;
	s0 =	rddreg [dreg:$0x3]  }
0x1c0: {  	s0 =	sadd.s32 @!p0 $0x100000, s0  }
0x1c1: {  	[sflag:s0] =	ssyncadd.tile.s32 @!p0 $0x1;
	_ =	shalt  }
.Lfunc_end2:
_tile_overlayer_lowered:
.L_overlay_start_2:
0x1c2: {  	(tag) =	ssettag $0x2  }
0x1c3: {  	s0 =	rddreg [dreg:$0x0];
	s2 =	stileid.u32  }
0x1c4: {  	s1 =	rddreg [dreg:$0x1];
	p0 =	sne.s32 s2, $0x0  }
0x1c5: {  	s3 =	rddreg [dreg:$0x2];
	[bflag:$0x3] =	sbarrier.arrive $0xFFFF;
	s2 =	simm.s32 @!p0 $0x1C01  }
0x1c6: {  	[timem:s3], [sflag:s2] =	dma.local @!p0 [hbm:s0], s1  }
0x1c7: {  	s0 =	simm.s32 @!p0 $0x1  }
0x1c8: {  	_ =	swait.ge @!p0 [sflag:s0], s1  }
0x1c9: {  	s1 =	ssub.s32 @!p0 $0x0, s1;
	[sflag:s0] =	ssyncset.done @!p0 $0x0  }
0x1ca: {  	[sflag:s0] =	ssyncadd.s32 @!p0 s1  }
0x1cb: {  	[bflag:$0x3] =	sbarrier.arrive $0xFFFF  }
0x1cc: {  	_ =	shalt  }

</sc_bundles>
